<compile_context>
chip_gen: v7x
topology: tpu7x:2x2x1
jax: 0.10.2.dev20260603
libtpu: 0.0.44.dev20260713+nightly
codegen_flags: <defaults>
</compile_context>

<pallas_src>
import functools

import jax
import jax.numpy as jnp
from jax import lax
from jax.experimental import pallas as pl
from jax.experimental.pallas import tpu as pltpu
from jax.experimental.pallas import tpu_sc as plsc

_NR = 10000
_E = 320000
_EP = 327680
_CH_E = 160
_CH_DEG = 80
_CB = 40
_ACC = 10112
_XO = 10400
_BN = 400
_NB = _NR // _BN
_NBA = _XO // _BN
_G = 128
_H = 256
_D = 128
_C = 10



def _sc_agg(nacc, w2, ch, xoff):
    mesh = plsc.VectorSubcoreMesh(core_axis_name="c", subcore_axis_name="s")
    nt = nacc // 16

    @functools.partial(
        pl.kernel,
        out_type=jax.ShapeDtypeStruct((2 * xoff, w2), jnp.float32),
        mesh=mesh,
        scratch_types=[
            pltpu.VMEM((min(ch, _CB), 128), jnp.int32),
            pltpu.VMEM((min(ch, _CB), 128), jnp.int32),
            pltpu.VMEM((128, w2), jnp.float32),
            pltpu.VMEM((128, w2), jnp.float32),
            pltpu.VMEM_SHARED((nacc, w2), jnp.float32),
            pltpu.SemaphoreType.DMA,
            pltpu.SemaphoreType.DMA,
            pltpu.SemaphoreType.DMA,
            pltpu.SemaphoreType.DMA,
        ],
    )
    def k(src_h, dst_h, tab_h, zer_h, out_h, sidx, didx, rows0, rows1,
          acc, g0, g1, s0, s1):
        c = lax.axis_index("c")
        s = lax.axis_index("s")
        cb = min(ch, _CB)
        pltpu.sync_copy(zer_h, acc.at[pl.ds(s * nt, nt)])
        plsc.subcore_barrier()

        def gat(j, rows, sem):
            pltpu.async_copy(tab_h.at[sidx.at[j]], rows, sem)

        def gat_w(j, rows, sem):
            pltpu.make_async_copy(tab_h.at[sidx.at[j]], rows, sem).wait()

        def sca(j, rows, sem):
            pltpu.async_copy(rows, acc.at[didx.at[j]], sem, add=True)

        def sca_w(j, rows, sem):
            pltpu.make_async_copy(rows, acc.at[didx.at[j]], sem).wait()

        def blk(b, carry):
            pltpu.sync_copy(dst_h.at[c, s, pl.ds(b * cb, cb)], didx)
            pltpu.sync_copy(src_h.at[c, s, pl.ds(b * cb, cb)], sidx)
            gat(0, rows0, g0)

            def pair(t, carry2):
                j0 = 2 * t
                j1 = j0 + 1
                gat_w(j0, rows0, g0)
                gat(j1, rows1, g1)
                sca(j0, rows0, s0)
                gat_w(j1, rows1, g1)
                sca_w(j0, rows0, s0)
                gat(j1 + 1, rows0, g0)
                sca(j1, rows1, s1)
                sca_w(j1, rows1, s1)
                return carry2

            lax.fori_loop(0, cb // 2 - 1, pair, carry)
            j0 = cb - 2
            j1 = cb - 1
            gat_w(j0, rows0, g0)
            gat(j1, rows1, g1)
            sca(j0, rows0, s0)
            gat_w(j1, rows1, g1)
            sca_w(j0, rows0, s0)
            sca(j1, rows1, s1)
            sca_w(j1, rows1, s1)
            return carry

        lax.fori_loop(0, ch // cb, blk, 0)

        plsc.subcore_barrier()
        pltpu.sync_copy(acc.at[pl.ds(s * nt, nt)],
                        out_h.at[pl.ds(c * xoff + s * nt, nt)])

    return k


def _sc_count(nacc, w2, ch, xoff):
    mesh = plsc.VectorSubcoreMesh(core_axis_name="c", subcore_axis_name="s")
    nt = nacc // 16

    @functools.partial(
        pl.kernel,
        out_type=jax.ShapeDtypeStruct((2 * xoff, w2), jnp.float32),
        mesh=mesh,
        scratch_types=[
            pltpu.VMEM((ch, 128), jnp.int32),
            pltpu.VMEM((128, w2), jnp.float32),
            pltpu.VMEM_SHARED((nacc, w2), jnp.float32),
        ],
    )
    def k(dst_h, one_h, zer_h, out_h, didx, rows, acc):
        c = lax.axis_index("c")
        s = lax.axis_index("s")
        pltpu.sync_copy(zer_h, acc.at[pl.ds(s * nt, nt)])
        pltpu.sync_copy(dst_h.at[c, s], didx)
        pltpu.sync_copy(one_h, rows)
        plsc.subcore_barrier()

        def step(j, carry):
            pltpu.sync_copy(rows, acc.at[didx.at[j]], add=True)
            return carry

        lax.fori_loop(0, ch, step, 0)

        plsc.subcore_barrier()
        pltpu.sync_copy(acc.at[pl.ds(s * nt, nt)],
                        out_h.at[pl.ds(c * xoff + s * nt, nt)])

    return k



def _tck_entry(x, deg2):

    def body(x_ref, d0_ref, d1_ref, y_ref, dis_ref):
        d = lax.rsqrt(d0_ref[:, 0:1] + d1_ref[:, 0:1] + 1.0)
        y_ref[...] = x_ref[...] * d
        dis_ref[...] = jnp.broadcast_to(d, (_BN, 16))

    return pl.pallas_call(
        body,
        grid=(_NB,),
        in_specs=[
            pl.BlockSpec((_BN, 128), lambda i: (i, 0)),
            pl.BlockSpec((_BN, 128), lambda i: (i, 0)),
            pl.BlockSpec((_BN, 128), lambda i: (_NBA + i, 0)),
        ],
        out_specs=[
            pl.BlockSpec((_BN, 128), lambda i: (i, 0)),
            pl.BlockSpec((_BN, 16), lambda i: (i, 0)),
        ],
        out_shape=[
            jax.ShapeDtypeStruct((_NR, 128), jnp.float32),
            jax.ShapeDtypeStruct((_NR, 16), jnp.float32),
        ],
    )(x, deg2, deg2)


def _tck_layer1(a_esplit, y1, dis16, W, b):

    def body(a0, a1, y, dis, w_ref, b_ref, o_ref):
        d = dis[:, 0:1]
        z = (a0[...] + a1[...] + y[...]) * d
        h = jnp.dot(z, w_ref[...], preferred_element_type=jnp.float32)
        h = jnp.maximum(h + b_ref[0:1, :], 0.0) * d
        o_ref[...] = h

    return pl.pallas_call(
        body,
        grid=(_NB, 2),
        in_specs=[
            pl.BlockSpec((_BN, 128), lambda i, c: (i, 0)),
            pl.BlockSpec((_BN, 128), lambda i, c: (_NBA + i, 0)),
            pl.BlockSpec((_BN, 128), lambda i, c: (i, 0)),
            pl.BlockSpec((_BN, 16), lambda i, c: (i, 0)),
            pl.BlockSpec((_D, 128), lambda i, c: (0, c)),
            pl.BlockSpec((8, 128), lambda i, c: (0, c)),
        ],
        out_specs=pl.BlockSpec((_BN, 128), lambda i, c: (c * _NB + i, 0)),
        out_shape=jax.ShapeDtypeStruct((2 * _NR, 128), jnp.float32),
    )(a_esplit, a_esplit, y1, dis16, W, b)


def _tck_layer(a_pair, y_pair, dis16, W, b, relu, post, w2i):
    nya = (2 * _NR) // _BN // 2

    def body(a0, a1, y0, y1, dis, w_ref, b_ref, o_ref):
        d = dis[:, 0:1]
        z = jnp.concatenate([a0[...] + y0[...], a1[...] + y1[...]], axis=1) * d
        h = jnp.dot(z, w_ref[...], preferred_element_type=jnp.float32)
        h = h + b_ref[0:1, :]
        if relu:
            h = jnp.maximum(h, 0.0)
        if post:
            h = h * d
        o_ref[...] = h

    wi = 2 * w2i
    return pl.pallas_call(
        body,
        grid=(_NB, 2),
        in_specs=[
            pl.BlockSpec((_BN, w2i), lambda i, c: (i, 0)),
            pl.BlockSpec((_BN, w2i), lambda i, c: (_NBA + i, 0)),
            pl.BlockSpec((_BN, w2i), lambda i, c: (i, 0)),
            pl.BlockSpec((_BN, w2i), lambda i, c: (nya + i, 0)),
            pl.BlockSpec((_BN, 16), lambda i, c: (i, 0)),
            pl.BlockSpec((wi, 128), lambda i, c: (0, c)),
            pl.BlockSpec((8, 128), lambda i, c: (0, c)),
        ],
        out_specs=pl.BlockSpec((_BN, 128), lambda i, c: (c * _NB + i, 0)),
        out_shape=jax.ShapeDtypeStruct((2 * _NR, 128), jnp.float32),
    )(a_pair, a_pair, y_pair, y_pair, dis16, W, b)


def _tck_l3_pool_head(a_pair, y_pair, dis16, batch16, W, b, Wl_pad, bl_pad):
    nya = (2 * _NR) // _BN // 2

    def body(a0, a1, y0, y1, dis, bat, w_ref, b_ref, wl_ref, bl_ref,
             o_ref, s_ref, c_ref):
        i = pl.program_id(0)
        d = dis[:, 0:1]
        z = jnp.concatenate([a0[...] + y0[...], a1[...] + y1[...]], axis=1) * d
        h = jnp.dot(z, w_ref[...], preferred_element_type=jnp.float32)
        h = h + b_ref[0:1, :]
        seg = bat[:, 0:1]
        gid = lax.broadcasted_iota(jnp.int32, (_BN, _G), 1)
        S = (seg == gid).astype(jnp.float32)
        p = lax.dot_general(S, h, (((0,), (0,)), ((), ())),
                            preferred_element_type=jnp.float32)
        cnt = lax.dot_general(S, jnp.ones((_BN, 16), jnp.float32),
                              (((0,), (0,)), ((), ())),
                              preferred_element_type=jnp.float32)

        @pl.when(i == 0)
        def _():
            s_ref[...] = p
            c_ref[...] = cnt

        @pl.when(i > 0)
        def _():
            s_ref[...] += p
            c_ref[...] += cnt

        @pl.when(i == _NB - 1)
        def _():
            cc = jnp.maximum(c_ref[:, 0:1], 1.0)
            sfin = s_ref[...] / cc
            o_ref[...] = (jnp.dot(sfin, wl_ref[...],
                                  preferred_element_type=jnp.float32)
                          + bl_ref[0:1, :])

    out, _, _ = pl.pallas_call(
        body,
        grid=(_NB,),
        in_specs=[
            pl.BlockSpec((_BN, 128), lambda i: (i, 0)),
            pl.BlockSpec((_BN, 128), lambda i: (_NBA + i, 0)),
            pl.BlockSpec((_BN, 128), lambda i: (i, 0)),
            pl.BlockSpec((_BN, 128), lambda i: (nya + i, 0)),
            pl.BlockSpec((_BN, 16), lambda i: (i, 0)),
            pl.BlockSpec((_BN, 16), lambda i: (i, 0)),
            pl.BlockSpec((_H, 256), lambda i: (0, 0)),
            pl.BlockSpec((8, 256), lambda i: (0, 0)),
            pl.BlockSpec((_H, 128), lambda i: (0, 0)),
            pl.BlockSpec((8, 128), lambda i: (0, 0)),
        ],
        out_specs=[
            pl.BlockSpec((_G, 128), lambda i: (0, 0)),
            pl.BlockSpec((_G, 256), lambda i: (0, 0)),
            pl.BlockSpec((_G, 16), lambda i: (0, 0)),
        ],
        out_shape=[
            jax.ShapeDtypeStruct((_G, 128), jnp.float32),
            jax.ShapeDtypeStruct((_G, 256), jnp.float32),
            jax.ShapeDtypeStruct((_G, 16), jnp.float32),
        ],
    )(a_pair, a_pair, y_pair, y_pair, dis16, batch16, W, b, Wl_pad, bl_pad)
    return out



def kernel(x, edge_index, batch, W1, b1, W2, b2, W3, b3, Wl, bl):
    f32 = jnp.float32
    src = edge_index[0].astype(jnp.int32)
    dst = edge_index[1].astype(jnp.int32)
    pad = _EP - _E
    padi = jnp.arange(pad, dtype=jnp.int32)
    srcp = jnp.concatenate([src, padi * 37 % _NR])
    dstp = jnp.concatenate([dst, _NR + padi % (_ACC - _NR)])
    src2 = jnp.stack([srcp, srcp + _NR]).reshape(2, 16, _CH_E, 128)
    dst_dup = jnp.broadcast_to(
        dstp.reshape(1, 16, _CH_E, 128), (2, 16, _CH_E, 128))
    src_split = srcp.reshape(2, 16, _CH_DEG, 128)
    dst_split = dstp.reshape(2, 16, _CH_DEG, 128)

    ones128 = jnp.ones((128, 128), f32)
    z_a = jnp.zeros((_ACC // 16, 128), f32)

    batch16 = jnp.broadcast_to(
        batch.astype(jnp.int32).reshape(_NR, 1), (_NR, 16))

    b1p = jnp.broadcast_to(b1.reshape(1, _H), (8, _H))
    b2p = jnp.broadcast_to(b2.reshape(1, _H), (8, _H))
    b3p = jnp.broadcast_to(b3.reshape(1, _H), (8, _H))
    Wl_pad = jnp.zeros((_H, 128), f32).at[:, :_C].set(Wl)
    bl_pad = jnp.broadcast_to(
        jnp.zeros((128,), f32).at[:_C].set(bl).reshape(1, 128), (8, 128))

    deg2 = _sc_count(_ACC, 128, _CH_DEG, _XO)(dst_split, ones128, z_a)

    y1, dis16 = _tck_entry(x, deg2)
    a1 = _sc_agg(_ACC, 128, _CH_DEG, _XO)(src_split, dst_split, y1, z_a)
    y2 = _tck_layer1(a1, y1, dis16, W1, b1p)
    a2 = _sc_agg(_ACC, 128, _CH_E, _XO)(src2, dst_dup, y2, z_a)
    y3 = _tck_layer(a2, y2, dis16, W2, b2p, relu=True, post=True, w2i=128)
    a3 = _sc_agg(_ACC, 128, _CH_E, _XO)(src2, dst_dup, y3, z_a)
    out = _tck_l3_pool_head(a3, y3, dis16, batch16, W3, b3p, Wl_pad, bl_pad)
    return out[:, :_C]

# --- scband reference (transcript-rebuilt; emitter-appended) ---
"""Pipeline reference for scband-gcn-88416196755460 (READ-ONLY COPY).

The authoritative reference and input builder live on the scoring server;
editing this copy changes nothing except your own understanding.
"""

import jax, jax.numpy as jnp
import numpy as np

N = 10000
E = 320000
D = 128
H = 256
C = 10
G = 128


def setup_inputs(seed: int = 0) -> dict:
    key = jax.random.key(seed)
    ks = jax.random.split(key, 12)
    x = jax.random.normal(ks[0], (N, D), dtype=jnp.float32)
    edge_index = jax.random.randint(ks[1], (2, E), 0, N)
    batch = jnp.sort(jax.random.randint(ks[2], (N,), 0, G))
    W1 = jax.random.normal(ks[3], (D, H), dtype=jnp.float32) * 0.05
    b1 = jnp.zeros((H,), dtype=jnp.float32)
    W2 = jax.random.normal(ks[4], (H, H), dtype=jnp.float32) * 0.05
    b2 = jnp.zeros((H,), dtype=jnp.float32)
    W3 = jax.random.normal(ks[5], (H, H), dtype=jnp.float32) * 0.05
    b3 = jnp.zeros((H,), dtype=jnp.float32)
    Wl = jax.random.normal(ks[6], (H, C), dtype=jnp.float32) * 0.05
    bl = jnp.zeros((C,), dtype=jnp.float32)
    return {"x": x, "edge_index": edge_index, "batch": batch,
            "W1": W1, "b1": b1, "W2": W2, "b2": b2, "W3": W3, "b3": b3,
            "Wl": Wl, "bl": bl}


def _gcn_conv(x, src, dst, W, b):
    # PyG GCNConv: x' = D^{-1/2} (A + I) D^{-1/2} (x W) + b, self-loops already in src/dst
    n = x.shape[0]
    xw = x @ W
    deg = jnp.zeros((n,), dtype=x.dtype).at[dst].add(1.0)
    dis = jnp.where(deg > 0, deg ** -0.5, 0.0)
    norm = dis[src] * dis[dst]
    msg = xw[src] * norm[:, None]
    out = jnp.zeros_like(xw).at[dst].add(msg)
    return out + b


def reference(x, edge_index, batch, W1, b1, W2, b2, W3, b3, Wl, bl):
    n = x.shape[0]
    loop = jnp.arange(n, dtype=edge_index.dtype)
    src = jnp.concatenate([edge_index[0], loop])
    dst = jnp.concatenate([edge_index[1], loop])
    h = _gcn_conv(x, src, dst, W1, b1)
    h = jax.nn.relu(h)
    h = _gcn_conv(h, src, dst, W2, b2)
    h = jax.nn.relu(h)
    h = _gcn_conv(h, src, dst, W3, b3)
    # global_mean_pool over graph ids in batch
    sums = jax.ops.segment_sum(h, batch, num_segments=G)
    counts = jax.ops.segment_sum(jnp.ones((n,), dtype=h.dtype), batch, num_segments=G)
    pooled = sums / jnp.clip(counts, 1.0)[:, None]
    # dropout p=0.5 is identity in eval mode
    out = pooled @ Wl + bl
    return out

if __name__ == "__main__":
    import jax
    _d = setup_inputs()
    print(jax.jit(kernel)(*tuple(_d.values())))

</pallas_src>

<mosaic_0001>
#map = affine_map<(d0, d1) -> (0, 0, 0, 0)>
#map1 = affine_map<(d0, d1) -> (0, 0)>
module attributes {stable_mosaic.version = 14 : i64} {
  func.func @k(%arg0: i32, %arg1: i32, %arg2: memref<2x16x80x128xi32, #tpu.memory_space<hbm>>, %arg3: memref<2x16x80x128xi32, #tpu.memory_space<hbm>>, %arg4: memref<10000x128xf32, #tpu.memory_space<hbm>>, %arg5: memref<632x128xf32, #tpu.memory_space<hbm>>, %arg6: memref<20800x128xf32, #tpu.memory_space<hbm>>, %arg7: memref<40x128xi32, #tpu.memory_space<vmem>>, %arg8: memref<40x128xi32, #tpu.memory_space<vmem>>, %arg9: memref<128x128xf32, #tpu.memory_space<vmem>>, %arg10: memref<128x128xf32, #tpu.memory_space<vmem>>, %arg11: memref<10112x128xf32, #tpu.memory_space<vmem_shared>>, %arg12: memref<!tpu.dma_semaphore, #tpu.memory_space<semaphore_mem>>, %arg13: memref<!tpu.dma_semaphore, #tpu.memory_space<semaphore_mem>>, %arg14: memref<!tpu.dma_semaphore, #tpu.memory_space<semaphore_mem>>, %arg15: memref<!tpu.dma_semaphore, #tpu.memory_space<semaphore_mem>>) attributes {dimension_semantics = [#tpu.dimension_semantics<core_parallel>, #tpu.dimension_semantics<subcore_parallel>], iteration_bounds = array<i64: 2, 16>, scalar_prefetch = 0 : i64, scratch_operands = 9 : i64, tpu.core_type = #tpu.core_type<sc_vector_subcore>, window_params = [{transform_indices = #map}, {transform_indices = #map}, {transform_indices = #map1}, {transform_indices = #map1}, {transform_indices = #map1}]} {
    %mul3A = arith.constant 632 : i32
    %mul3A_0 = arith.muli %arg1, %mul3A : i32
    "tpu.region"() ({
      %run_scoped3A = tpu.sem_alloc : memref<!tpu.dma_semaphore, #tpu.memory_space<semaphore_mem>>
      %dma_start3A = arith.constant 0 : i32
      %dma_start3A_13 = tpu.memref_slice %arg11[%mul3A_0, %dma_start3A] : memref<10112x128xf32, #tpu.memory_space<vmem_shared>> -> memref<632x128xf32, #tpu.memory_space<vmem_shared>>
      tpu.enqueue_dma source(%arg5 : memref<632x128xf32, #tpu.memory_space<hbm>>) target(%dma_start3A_13 : memref<632x128xf32, #tpu.memory_space<vmem_shared>>) target_semaphore(%run_scoped3A : memref<!tpu.dma_semaphore, #tpu.memory_space<semaphore_mem>>)
      %dma_wait3A = arith.constant 0 : i32
      %dma_wait3A_14 = tpu.memref_slice %arg11[%mul3A_0, %dma_wait3A] : memref<10112x128xf32, #tpu.memory_space<vmem_shared>> -> memref<632x128xf32, #tpu.memory_space<vmem_shared>>
      tpu.wait_dma2 semaphore(%run_scoped3A : memref<!tpu.dma_semaphore, #tpu.memory_space<semaphore_mem>>) src(%arg5 : memref<632x128xf32, #tpu.memory_space<hbm>>) dst(%dma_wait3A_14 : memref<632x128xf32, #tpu.memory_space<vmem_shared>>)
      tpu.yield
    }) : () -> ()
    %barrier3A = arith.constant 0 : index
    tpu.barrier barrier_id(%barrier3A)
    %scan3A = arith.constant 0 : i32
    %scan3A_1 = arith.constant 0 : i32
    %scan3A_2 = arith.constant 2 : i32
    %scan3A_3 = arith.addi %scan3A_1, %scan3A_2 : i32
    %scan3A_4 = arith.constant 1 : i32
    scf.for %scan3A_13 = %scan3A_1 to %scan3A_3 step %scan3A_4  : i32 {
      %mul3A_14 = arith.constant 40 : i32
      %mul3A_15 = arith.muli %scan3A_13, %mul3A_14 : i32
      "tpu.region"() ({
        %run_scoped3A = tpu.sem_alloc : memref<!tpu.dma_semaphore, #tpu.memory_space<semaphore_mem>>
        %dma_start3A_77 = arith.constant 0 : i32
        %dma_start3A_78 = tpu.memref_slice %arg3[%arg0, %arg1, %mul3A_15, %dma_start3A_77] : memref<2x16x80x128xi32, #tpu.memory_space<hbm>> -> memref<1x1x40x128xi32, #tpu.memory_space<hbm>>
        %dma_start3A_79 = tpu.memref_squeeze %dma_start3A_78 : memref<1x1x40x128xi32, #tpu.memory_space<hbm>> -> memref<40x128xi32, #tpu.memory_space<hbm>>
        %dma_start3A_80 = arith.constant 0 : i32
        %dma_start3A_81 = tpu.memref_slice %arg3[%arg0, %arg1, %mul3A_15, %dma_start3A_80] : memref<2x16x80x128xi32, #tpu.memory_space<hbm>> -> memref<1x1x40x128xi32, #tpu.memory_space<hbm>>
        %dma_start3A_82 = tpu.memref_squeeze %dma_start3A_81 : memref<1x1x40x128xi32, #tpu.memory_space<hbm>> -> memref<40x128xi32, #tpu.memory_space<hbm>>
        tpu.enqueue_dma source(%dma_start3A_82 : memref<40x128xi32, #tpu.memory_space<hbm>>) target(%arg8 : memref<40x128xi32, #tpu.memory_space<vmem>>) target_semaphore(%run_scoped3A : memref<!tpu.dma_semaphore, #tpu.memory_space<semaphore_mem>>)
        %dma_wait3A_83 = arith.constant 0 : i32
        %dma_wait3A_84 = tpu.memref_slice %arg3[%arg0, %arg1, %mul3A_15, %dma_wait3A_83] : memref<2x16x80x128xi32, #tpu.memory_space<hbm>> -> memref<1x1x40x128xi32, #tpu.memory_space<hbm>>
        %dma_wait3A_85 = tpu.memref_squeeze %dma_wait3A_84 : memref<1x1x40x128xi32, #tpu.memory_space<hbm>> -> memref<40x128xi32, #tpu.memory_space<hbm>>
        %dma_wait3A_86 = arith.constant 0 : i32
        %dma_wait3A_87 = tpu.memref_slice %arg3[%arg0, %arg1, %mul3A_15, %dma_wait3A_86] : memref<2x16x80x128xi32, #tpu.memory_space<hbm>> -> memref<1x1x40x128xi32, #tpu.memory_space<hbm>>
        %dma_wait3A_88 = tpu.memref_squeeze %dma_wait3A_87 : memref<1x1x40x128xi32, #tpu.memory_space<hbm>> -> memref<40x128xi32, #tpu.memory_space<hbm>>
        tpu.wait_dma2 semaphore(%run_scoped3A : memref<!tpu.dma_semaphore, #tpu.memory_space<semaphore_mem>>) src(%dma_wait3A_88 : memref<40x128xi32, #tpu.memory_space<hbm>>) dst(%arg8 : memref<40x128xi32, #tpu.memory_space<vmem>>)
        tpu.yield
      }) : () -> ()
      %mul3A_16 = arith.constant 40 : i32
      %mul3A_17 = arith.muli %scan3A_13, %mul3A_16 : i32
      "tpu.region"() ({
        %run_scoped3A = tpu.sem_alloc : memref<!tpu.dma_semaphore, #tpu.memory_space<semaphore_mem>>
        %dma_start3A_77 = arith.constant 0 : i32
        %dma_start3A_78 = tpu.memref_slice %arg2[%arg0, %arg1, %mul3A_17, %dma_start3A_77] : memref<2x16x80x128xi32, #tpu.memory_space<hbm>> -> memref<1x1x40x128xi32, #tpu.memory_space<hbm>>
        %dma_start3A_79 = tpu.memref_squeeze %dma_start3A_78 : memref<1x1x40x128xi32, #tpu.memory_space<hbm>> -> memref<40x128xi32, #tpu.memory_space<hbm>>
        %dma_start3A_80 = arith.constant 0 : i32
        %dma_start3A_81 = tpu.memref_slice %arg2[%arg0, %arg1, %mul3A_17, %dma_start3A_80] : memref<2x16x80x128xi32, #tpu.memory_space<hbm>> -> memref<1x1x40x128xi32, #tpu.memory_space<hbm>>
        %dma_start3A_82 = tpu.memref_squeeze %dma_start3A_81 : memref<1x1x40x128xi32, #tpu.memory_space<hbm>> -> memref<40x128xi32, #tpu.memory_space<hbm>>
        tpu.enqueue_dma source(%dma_start3A_82 : memref<40x128xi32, #tpu.memory_space<hbm>>) target(%arg7 : memref<40x128xi32, #tpu.memory_space<vmem>>) target_semaphore(%run_scoped3A : memref<!tpu.dma_semaphore, #tpu.memory_space<semaphore_mem>>)
        %dma_wait3A_83 = arith.constant 0 : i32
        %dma_wait3A_84 = tpu.memref_slice %arg2[%arg0, %arg1, %mul3A_17, %dma_wait3A_83] : memref<2x16x80x128xi32, #tpu.memory_space<hbm>> -> memref<1x1x40x128xi32, #tpu.memory_space<hbm>>
        %dma_wait3A_85 = tpu.memref_squeeze %dma_wait3A_84 : memref<1x1x40x128xi32, #tpu.memory_space<hbm>> -> memref<40x128xi32, #tpu.memory_space<hbm>>
        %dma_wait3A_86 = arith.constant 0 : i32
        %dma_wait3A_87 = tpu.memref_slice %arg2[%arg0, %arg1, %mul3A_17, %dma_wait3A_86] : memref<2x16x80x128xi32, #tpu.memory_space<hbm>> -> memref<1x1x40x128xi32, #tpu.memory_space<hbm>>
        %dma_wait3A_88 = tpu.memref_squeeze %dma_wait3A_87 : memref<1x1x40x128xi32, #tpu.memory_space<hbm>> -> memref<40x128xi32, #tpu.memory_space<hbm>>
        tpu.wait_dma2 semaphore(%run_scoped3A : memref<!tpu.dma_semaphore, #tpu.memory_space<semaphore_mem>>) src(%dma_wait3A_88 : memref<40x128xi32, #tpu.memory_space<hbm>>) dst(%arg7 : memref<40x128xi32, #tpu.memory_space<vmem>>)
        tpu.yield
      }) : () -> ()
      %dma_start3A = arith.constant 0 : i32
      %dma_start3A_18 = arith.constant 0 : i32
      %dma_start3A_19 = tpu.memref_slice %arg7[%dma_start3A, %dma_start3A_18] : memref<40x128xi32, #tpu.memory_space<vmem>> -> memref<1x128xi32, #tpu.memory_space<vmem>>
      %dma_start3A_20 = tpu.memref_squeeze %dma_start3A_19 : memref<1x128xi32, #tpu.memory_space<vmem>> -> memref<128xi32, #tpu.memory_space<vmem>>
      %dma_start3A_21 = arith.constant 0 : i32
      %dma_start3A_22 = arith.constant 0 : i32
      %dma_start3A_23 = tpu.memref_slice %arg4[%dma_start3A_21, %dma_start3A_22] : memref<10000x128xf32, #tpu.memory_space<hbm>> -> memref<10000x128xf32, #tpu.memory_space<hbm>>
      tpu.enqueue_indirect_dma source(%dma_start3A_23 : memref<10000x128xf32, #tpu.memory_space<hbm>>) target(%arg9 : memref<128x128xf32, #tpu.memory_space<vmem>>) offsets(%dma_start3A_20 : memref<128xi32, #tpu.memory_space<vmem>>) semaphore(%arg12 : memref<!tpu.dma_semaphore, #tpu.memory_space<semaphore_mem>>)
      %scan3A_24 = arith.constant 0 : i32
      %scan3A_25 = arith.constant 19 : i32
      %scan3A_26 = arith.addi %scan3A_24, %scan3A_25 : i32
      %scan3A_27 = arith.constant 1 : i32
      scf.for %scan3A_77 = %scan3A_24 to %scan3A_26 step %scan3A_27  : i32 {
        %mul3A_78 = arith.constant 2 : i32
        %mul3A_79 = arith.muli %mul3A_78, %scan3A_77 : i32
        %add3A_80 = arith.constant 1 : i32
        %add3A_81 = arith.addi %mul3A_79, %add3A_80 : i32
        %dma_wait3A_82 = arith.constant 0 : i32
        %dma_wait3A_83 = tpu.memref_slice %arg7[%mul3A_79, %dma_wait3A_82] : memref<40x128xi32, #tpu.memory_space<vmem>> -> memref<1x128xi32, #tpu.memory_space<vmem>>
        %dma_wait3A_84 = tpu.memref_squeeze %dma_wait3A_83 : memref<1x128xi32, #tpu.memory_space<vmem>> -> memref<128xi32, #tpu.memory_space<vmem>>
        %dma_wait3A_85 = arith.constant 0 : i32
        %dma_wait3A_86 = arith.constant 0 : i32
        %dma_wait3A_87 = tpu.memref_slice %arg4[%dma_wait3A_85, %dma_wait3A_86] : memref<10000x128xf32, #tpu.memory_space<hbm>> -> memref<10000x128xf32, #tpu.memory_space<hbm>>
        tpu.wait_indirect_dma semaphore(%arg12 : memref<!tpu.dma_semaphore, #tpu.memory_space<semaphore_mem>>) src(%dma_wait3A_87 : memref<10000x128xf32, #tpu.memory_space<hbm>>) dst(%arg9 : memref<128x128xf32, #tpu.memory_space<vmem>>)
        %dma_start3A_88 = arith.constant 0 : i32
        %dma_start3A_89 = tpu.memref_slice %arg7[%add3A_81, %dma_start3A_88] : memref<40x128xi32, #tpu.memory_space<vmem>> -> memref<1x128xi32, #tpu.memory_space<vmem>>
        %dma_start3A_90 = tpu.memref_squeeze %dma_start3A_89 : memref<1x128xi32, #tpu.memory_space<vmem>> -> memref<128xi32, #tpu.memory_space<vmem>>
        %dma_start3A_91 = arith.constant 0 : i32
        %dma_start3A_92 = arith.constant 0 : i32
        %dma_start3A_93 = tpu.memref_slice %arg4[%dma_start3A_91, %dma_start3A_92] : memref<10000x128xf32, #tpu.memory_space<hbm>> -> memref<10000x128xf32, #tpu.memory_space<hbm>>
        tpu.enqueue_indirect_dma source(%dma_start3A_93 : memref<10000x128xf32, #tpu.memory_space<hbm>>) target(%arg10 : memref<128x128xf32, #tpu.memory_space<vmem>>) offsets(%dma_start3A_90 : memref<128xi32, #tpu.memory_space<vmem>>) semaphore(%arg13 : memref<!tpu.dma_semaphore, #tpu.memory_space<semaphore_mem>>)
        %dma_start3A_94 = arith.constant 0 : i32
        %dma_start3A_95 = tpu.memref_slice %arg8[%mul3A_79, %dma_start3A_94] : memref<40x128xi32, #tpu.memory_space<vmem>> -> memref<1x128xi32, #tpu.memory_space<vmem>>
        %dma_start3A_96 = tpu.memref_squeeze %dma_start3A_95 : memref<1x128xi32, #tpu.memory_space<vmem>> -> memref<128xi32, #tpu.memory_space<vmem>>
        %dma_start3A_97 = arith.constant 0 : i32
        %dma_start3A_98 = arith.constant 0 : i32
        %dma_start3A_99 = tpu.memref_slice %arg11[%dma_start3A_97, %dma_start3A_98] : memref<10112x128xf32, #tpu.memory_space<vmem_shared>> -> memref<10112x128xf32, #tpu.memory_space<vmem_shared>>
        tpu.enqueue_indirect_dma source(%arg9 : memref<128x128xf32, #tpu.memory_space<vmem>>) target(%dma_start3A_99 : memref<10112x128xf32, #tpu.memory_space<vmem_shared>>) offsets(%dma_start3A_96 : memref<128xi32, #tpu.memory_space<vmem>>) semaphore(%arg14 : memref<!tpu.dma_semaphore, #tpu.memory_space<semaphore_mem>>) {add = true}
        %dma_wait3A_100 = arith.constant 0 : i32
        %dma_wait3A_101 = tpu.memref_slice %arg7[%add3A_81, %dma_wait3A_100] : memref<40x128xi32, #tpu.memory_space<vmem>> -> memref<1x128xi32, #tpu.memory_space<vmem>>
        %dma_wait3A_102 = tpu.memref_squeeze %dma_wait3A_101 : memref<1x128xi32, #tpu.memory_space<vmem>> -> memref<128xi32, #tpu.memory_space<vmem>>
        %dma_wait3A_103 = arith.constant 0 : i32
        %dma_wait3A_104 = arith.constant 0 : i32
        %dma_wait3A_105 = tpu.memref_slice %arg4[%dma_wait3A_103, %dma_wait3A_104] : memref<10000x128xf32, #tpu.memory_space<hbm>> -> memref<10000x128xf32, #tpu.memory_space<hbm>>
        tpu.wait_indirect_dma semaphore(%arg13 : memref<!tpu.dma_semaphore, #tpu.memory_space<semaphore_mem>>) src(%dma_wait3A_105 : memref<10000x128xf32, #tpu.memory_space<hbm>>) dst(%arg10 : memref<128x128xf32, #tpu.memory_space<vmem>>)
        %dma_wait3A_106 = arith.constant 0 : i32
        %dma_wait3A_107 = tpu.memref_slice %arg8[%mul3A_79, %dma_wait3A_106] : memref<40x128xi32, #tpu.memory_space<vmem>> -> memref<1x128xi32, #tpu.memory_space<vmem>>
        %dma_wait3A_108 = tpu.memref_squeeze %dma_wait3A_107 : memref<1x128xi32, #tpu.memory_space<vmem>> -> memref<128xi32, #tpu.memory_space<vmem>>
        %dma_wait3A_109 = arith.constant 0 : i32
        %dma_wait3A_110 = arith.constant 0 : i32
        %dma_wait3A_111 = tpu.memref_slice %arg11[%dma_wait3A_109, %dma_wait3A_110] : memref<10112x128xf32, #tpu.memory_space<vmem_shared>> -> memref<10112x128xf32, #tpu.memory_space<vmem_shared>>
        tpu.wait_indirect_dma semaphore(%arg14 : memref<!tpu.dma_semaphore, #tpu.memory_space<semaphore_mem>>) src(%arg9 : memref<128x128xf32, #tpu.memory_space<vmem>>) dst(%dma_wait3A_111 : memref<10112x128xf32, #tpu.memory_space<vmem_shared>>)
        %add3A_112 = arith.constant 1 : i32
        %add3A_113 = arith.addi %add3A_81, %add3A_112 : i32
        %dma_start3A_114 = arith.constant 0 : i32
        %dma_start3A_115 = tpu.memref_slice %arg7[%add3A_113, %dma_start3A_114] : memref<40x128xi32, #tpu.memory_space<vmem>> -> memref<1x128xi32, #tpu.memory_space<vmem>>
        %dma_start3A_116 = tpu.memref_squeeze %dma_start3A_115 : memref<1x128xi32, #tpu.memory_space<vmem>> -> memref<128xi32, #tpu.memory_space<vmem>>
        %dma_start3A_117 = arith.constant 0 : i32
        %dma_start3A_118 = arith.constant 0 : i32
        %dma_start3A_119 = tpu.memref_slice %arg4[%dma_start3A_117, %dma_start3A_118] : memref<10000x128xf32, #tpu.memory_space<hbm>> -> memref<10000x128xf32, #tpu.memory_space<hbm>>
        tpu.enqueue_indirect_dma source(%dma_start3A_119 : memref<10000x128xf32, #tpu.memory_space<hbm>>) target(%arg9 : memref<128x128xf32, #tpu.memory_space<vmem>>) offsets(%dma_start3A_116 : memref<128xi32, #tpu.memory_space<vmem>>) semaphore(%arg12 : memref<!tpu.dma_semaphore, #tpu.memory_space<semaphore_mem>>)
        %dma_start3A_120 = arith.constant 0 : i32
        %dma_start3A_121 = tpu.memref_slice %arg8[%add3A_81, %dma_start3A_120] : memref<40x128xi32, #tpu.memory_space<vmem>> -> memref<1x128xi32, #tpu.memory_space<vmem>>
        %dma_start3A_122 = tpu.memref_squeeze %dma_start3A_121 : memref<1x128xi32, #tpu.memory_space<vmem>> -> memref<128xi32, #tpu.memory_space<vmem>>
        %dma_start3A_123 = arith.constant 0 : i32
        %dma_start3A_124 = arith.constant 0 : i32
        %dma_start3A_125 = tpu.memref_slice %arg11[%dma_start3A_123, %dma_start3A_124] : memref<10112x128xf32, #tpu.memory_space<vmem_shared>> -> memref<10112x128xf32, #tpu.memory_space<vmem_shared>>
        tpu.enqueue_indirect_dma source(%arg10 : memref<128x128xf32, #tpu.memory_space<vmem>>) target(%dma_start3A_125 : memref<10112x128xf32, #tpu.memory_space<vmem_shared>>) offsets(%dma_start3A_122 : memref<128xi32, #tpu.memory_space<vmem>>) semaphore(%arg15 : memref<!tpu.dma_semaphore, #tpu.memory_space<semaphore_mem>>) {add = true}
        %dma_wait3A_126 = arith.constant 0 : i32
        %dma_wait3A_127 = tpu.memref_slice %arg8[%add3A_81, %dma_wait3A_126] : memref<40x128xi32, #tpu.memory_space<vmem>> -> memref<1x128xi32, #tpu.memory_space<vmem>>
        %dma_wait3A_128 = tpu.memref_squeeze %dma_wait3A_127 : memref<1x128xi32, #tpu.memory_space<vmem>> -> memref<128xi32, #tpu.memory_space<vmem>>
        %dma_wait3A_129 = arith.constant 0 : i32
        %dma_wait3A_130 = arith.constant 0 : i32
        %dma_wait3A_131 = tpu.memref_slice %arg11[%dma_wait3A_129, %dma_wait3A_130] : memref<10112x128xf32, #tpu.memory_space<vmem_shared>> -> memref<10112x128xf32, #tpu.memory_space<vmem_shared>>
        tpu.wait_indirect_dma semaphore(%arg15 : memref<!tpu.dma_semaphore, #tpu.memory_space<semaphore_mem>>) src(%arg10 : memref<128x128xf32, #tpu.memory_space<vmem>>) dst(%dma_wait3A_131 : memref<10112x128xf32, #tpu.memory_space<vmem_shared>>)
      }
      %scan3A_28 = arith.constant 19 : i32
      %dma_wait3A = arith.constant 38 : i32
      %dma_wait3A_29 = arith.constant 0 : i32
      %dma_wait3A_30 = tpu.memref_slice %arg7[%dma_wait3A, %dma_wait3A_29] : memref<40x128xi32, #tpu.memory_space<vmem>> -> memref<1x128xi32, #tpu.memory_space<vmem>>
      %dma_wait3A_31 = tpu.memref_squeeze %dma_wait3A_30 : memref<1x128xi32, #tpu.memory_space<vmem>> -> memref<128xi32, #tpu.memory_space<vmem>>
      %dma_wait3A_32 = arith.constant 0 : i32
      %dma_wait3A_33 = arith.constant 0 : i32
      %dma_wait3A_34 = tpu.memref_slice %arg4[%dma_wait3A_32, %dma_wait3A_33] : memref<10000x128xf32, #tpu.memory_space<hbm>> -> memref<10000x128xf32, #tpu.memory_space<hbm>>
      tpu.wait_indirect_dma semaphore(%arg12 : memref<!tpu.dma_semaphore, #tpu.memory_space<semaphore_mem>>) src(%dma_wait3A_34 : memref<10000x128xf32, #tpu.memory_space<hbm>>) dst(%arg9 : memref<128x128xf32, #tpu.memory_space<vmem>>)
      %dma_start3A_35 = arith.constant 39 : i32
      %dma_start3A_36 = arith.constant 0 : i32
      %dma_start3A_37 = tpu.memref_slice %arg7[%dma_start3A_35, %dma_start3A_36] : memref<40x128xi32, #tpu.memory_space<vmem>> -> memref<1x128xi32, #tpu.memory_space<vmem>>
      %dma_start3A_38 = tpu.memref_squeeze %dma_start3A_37 : memref<1x128xi32, #tpu.memory_space<vmem>> -> memref<128xi32, #tpu.memory_space<vmem>>
      %dma_start3A_39 = arith.constant 0 : i32
      %dma_start3A_40 = arith.constant 0 : i32
      %dma_start3A_41 = tpu.memref_slice %arg4[%dma_start3A_39, %dma_start3A_40] : memref<10000x128xf32, #tpu.memory_space<hbm>> -> memref<10000x128xf32, #tpu.memory_space<hbm>>
      tpu.enqueue_indirect_dma source(%dma_start3A_41 : memref<10000x128xf32, #tpu.memory_space<hbm>>) target(%arg10 : memref<128x128xf32, #tpu.memory_space<vmem>>) offsets(%dma_start3A_38 : memref<128xi32, #tpu.memory_space<vmem>>) semaphore(%arg13 : memref<!tpu.dma_semaphore, #tpu.memory_space<semaphore_mem>>)
      %dma_start3A_42 = arith.constant 38 : i32
      %dma_start3A_43 = arith.constant 0 : i32
      %dma_start3A_44 = tpu.memref_slice %arg8[%dma_start3A_42, %dma_start3A_43] : memref<40x128xi32, #tpu.memory_space<vmem>> -> memref<1x128xi32, #tpu.memory_space<vmem>>
      %dma_start3A_45 = tpu.memref_squeeze %dma_start3A_44 : memref<1x128xi32, #tpu.memory_space<vmem>> -> memref<128xi32, #tpu.memory_space<vmem>>
      %dma_start3A_46 = arith.constant 0 : i32
      %dma_start3A_47 = arith.constant 0 : i32
      %dma_start3A_48 = tpu.memref_slice %arg11[%dma_start3A_46, %dma_start3A_47] : memref<10112x128xf32, #tpu.memory_space<vmem_shared>> -> memref<10112x128xf32, #tpu.memory_space<vmem_shared>>
      tpu.enqueue_indirect_dma source(%arg9 : memref<128x128xf32, #tpu.memory_space<vmem>>) target(%dma_start3A_48 : memref<10112x128xf32, #tpu.memory_space<vmem_shared>>) offsets(%dma_start3A_45 : memref<128xi32, #tpu.memory_space<vmem>>) semaphore(%arg14 : memref<!tpu.dma_semaphore, #tpu.memory_space<semaphore_mem>>) {add = true}
      %dma_wait3A_49 = arith.constant 39 : i32
      %dma_wait3A_50 = arith.constant 0 : i32
      %dma_wait3A_51 = tpu.memref_slice %arg7[%dma_wait3A_49, %dma_wait3A_50] : memref<40x128xi32, #tpu.memory_space<vmem>> -> memref<1x128xi32, #tpu.memory_space<vmem>>
      %dma_wait3A_52 = tpu.memref_squeeze %dma_wait3A_51 : memref<1x128xi32, #tpu.memory_space<vmem>> -> memref<128xi32, #tpu.memory_space<vmem>>
      %dma_wait3A_53 = arith.constant 0 : i32
      %dma_wait3A_54 = arith.constant 0 : i32
      %dma_wait3A_55 = tpu.memref_slice %arg4[%dma_wait3A_53, %dma_wait3A_54] : memref<10000x128xf32, #tpu.memory_space<hbm>> -> memref<10000x128xf32, #tpu.memory_space<hbm>>
      tpu.wait_indirect_dma semaphore(%arg13 : memref<!tpu.dma_semaphore, #tpu.memory_space<semaphore_mem>>) src(%dma_wait3A_55 : memref<10000x128xf32, #tpu.memory_space<hbm>>) dst(%arg10 : memref<128x128xf32, #tpu.memory_space<vmem>>)
      %dma_wait3A_56 = arith.constant 38 : i32
      %dma_wait3A_57 = arith.constant 0 : i32
      %dma_wait3A_58 = tpu.memref_slice %arg8[%dma_wait3A_56, %dma_wait3A_57] : memref<40x128xi32, #tpu.memory_space<vmem>> -> memref<1x128xi32, #tpu.memory_space<vmem>>
      %dma_wait3A_59 = tpu.memref_squeeze %dma_wait3A_58 : memref<1x128xi32, #tpu.memory_space<vmem>> -> memref<128xi32, #tpu.memory_space<vmem>>
      %dma_wait3A_60 = arith.constant 0 : i32
      %dma_wait3A_61 = arith.constant 0 : i32
      %dma_wait3A_62 = tpu.memref_slice %arg11[%dma_wait3A_60, %dma_wait3A_61] : memref<10112x128xf32, #tpu.memory_space<vmem_shared>> -> memref<10112x128xf32, #tpu.memory_space<vmem_shared>>
      tpu.wait_indirect_dma semaphore(%arg14 : memref<!tpu.dma_semaphore, #tpu.memory_space<semaphore_mem>>) src(%arg9 : memref<128x128xf32, #tpu.memory_space<vmem>>) dst(%dma_wait3A_62 : memref<10112x128xf32, #tpu.memory_space<vmem_shared>>)
      %dma_start3A_63 = arith.constant 39 : i32
      %dma_start3A_64 = arith.constant 0 : i32
      %dma_start3A_65 = tpu.memref_slice %arg8[%dma_start3A_63, %dma_start3A_64] : memref<40x128xi32, #tpu.memory_space<vmem>> -> memref<1x128xi32, #tpu.memory_space<vmem>>
      %dma_start3A_66 = tpu.memref_squeeze %dma_start3A_65 : memref<1x128xi32, #tpu.memory_space<vmem>> -> memref<128xi32, #tpu.memory_space<vmem>>
      %dma_start3A_67 = arith.constant 0 : i32
      %dma_start3A_68 = arith.constant 0 : i32
      %dma_start3A_69 = tpu.memref_slice %arg11[%dma_start3A_67, %dma_start3A_68] : memref<10112x128xf32, #tpu.memory_space<vmem_shared>> -> memref<10112x128xf32, #tpu.memory_space<vmem_shared>>
      tpu.enqueue_indirect_dma source(%arg10 : memref<128x128xf32, #tpu.memory_space<vmem>>) target(%dma_start3A_69 : memref<10112x128xf32, #tpu.memory_space<vmem_shared>>) offsets(%dma_start3A_66 : memref<128xi32, #tpu.memory_space<vmem>>) semaphore(%arg15 : memref<!tpu.dma_semaphore, #tpu.memory_space<semaphore_mem>>) {add = true}
      %dma_wait3A_70 = arith.constant 39 : i32
      %dma_wait3A_71 = arith.constant 0 : i32
      %dma_wait3A_72 = tpu.memref_slice %arg8[%dma_wait3A_70, %dma_wait3A_71] : memref<40x128xi32, #tpu.memory_space<vmem>> -> memref<1x128xi32, #tpu.memory_space<vmem>>
      %dma_wait3A_73 = tpu.memref_squeeze %dma_wait3A_72 : memref<1x128xi32, #tpu.memory_space<vmem>> -> memref<128xi32, #tpu.memory_space<vmem>>
      %dma_wait3A_74 = arith.constant 0 : i32
      %dma_wait3A_75 = arith.constant 0 : i32
      %dma_wait3A_76 = tpu.memref_slice %arg11[%dma_wait3A_74, %dma_wait3A_75] : memref<10112x128xf32, #tpu.memory_space<vmem_shared>> -> memref<10112x128xf32, #tpu.memory_space<vmem_shared>>
      tpu.wait_indirect_dma semaphore(%arg15 : memref<!tpu.dma_semaphore, #tpu.memory_space<semaphore_mem>>) src(%arg10 : memref<128x128xf32, #tpu.memory_space<vmem>>) dst(%dma_wait3A_76 : memref<10112x128xf32, #tpu.memory_space<vmem_shared>>)
    }
    %scan3A_5 = arith.constant 2 : i32
    %barrier3A_6 = arith.constant 0 : index
    tpu.barrier barrier_id(%barrier3A_6)
    %mul3A_7 = arith.constant 632 : i32
    %mul3A_8 = arith.muli %arg1, %mul3A_7 : i32
    %mul3A_9 = arith.constant 10400 : i32
    %mul3A_10 = arith.muli %arg0, %mul3A_9 : i32
    %mul3A_11 = arith.constant 632 : i32
    %mul3A_12 = arith.muli %arg1, %mul3A_11 : i32
    %add3A = arith.addi %mul3A_10, %mul3A_12 : i32
    "tpu.region"() ({
      %run_scoped3A = tpu.sem_alloc : memref<!tpu.dma_semaphore, #tpu.memory_space<semaphore_mem>>
      %dma_start3A = arith.constant 0 : i32
      %dma_start3A_13 = tpu.memref_slice %arg6[%add3A, %dma_start3A] : memref<20800x128xf32, #tpu.memory_space<hbm>> -> memref<632x128xf32, #tpu.memory_space<hbm>>
      %dma_start3A_14 = arith.constant 0 : i32
      %dma_start3A_15 = tpu.memref_slice %arg11[%mul3A_8, %dma_start3A_14] : memref<10112x128xf32, #tpu.memory_space<vmem_shared>> -> memref<632x128xf32, #tpu.memory_space<vmem_shared>>
      tpu.enqueue_dma source(%dma_start3A_15 : memref<632x128xf32, #tpu.memory_space<vmem_shared>>) target(%dma_start3A_13 : memref<632x128xf32, #tpu.memory_space<hbm>>) target_semaphore(%run_scoped3A : memref<!tpu.dma_semaphore, #tpu.memory_space<semaphore_mem>>)
      %dma_wait3A = arith.constant 0 : i32
      %dma_wait3A_16 = tpu.memref_slice %arg6[%add3A, %dma_wait3A] : memref<20800x128xf32, #tpu.memory_space<hbm>> -> memref<632x128xf32, #tpu.memory_space<hbm>>
      %dma_wait3A_17 = arith.constant 0 : i32
      %dma_wait3A_18 = tpu.memref_slice %arg11[%mul3A_8, %dma_wait3A_17] : memref<10112x128xf32, #tpu.memory_space<vmem_shared>> -> memref<632x128xf32, #tpu.memory_space<vmem_shared>>
      tpu.wait_dma2 semaphore(%run_scoped3A : memref<!tpu.dma_semaphore, #tpu.memory_space<semaphore_mem>>) src(%dma_wait3A_18 : memref<632x128xf32, #tpu.memory_space<vmem_shared>>) dst(%dma_wait3A_16 : memref<632x128xf32, #tpu.memory_space<hbm>>)
      tpu.yield
    }) : () -> ()
    return
  }
}

#map = affine_map<(d0, d1) -> (0, 0, 0, 0)>
#map1 = affine_map<(d0, d1) -> (0, 0)>
module attributes {stable_mosaic.version = 14 : i64} {
  func.func @k(%arg0: i32, %arg1: i32, %arg2: memref<2x16x160x128xi32, #tpu.memory_space<hbm>>, %arg3: memref<2x16x160x128xi32, #tpu.memory_space<hbm>>, %arg4: memref<20000x128xf32, #tpu.memory_space<hbm>>, %arg5: memref<632x128xf32, #tpu.memory_space<hbm>>, %arg6: memref<20800x128xf32, #tpu.memory_space<hbm>>, %arg7: memref<40x128xi32, #tpu.memory_space<vmem>>, %arg8: memref<40x128xi32, #tpu.memory_space<vmem>>, %arg9: memref<128x128xf32, #tpu.memory_space<vmem>>, %arg10: memref<128x128xf32, #tpu.memory_space<vmem>>, %arg11: memref<10112x128xf32, #tpu.memory_space<vmem_shared>>, %arg12: memref<!tpu.dma_semaphore, #tpu.memory_space<semaphore_mem>>, %arg13: memref<!tpu.dma_semaphore, #tpu.memory_space<semaphore_mem>>, %arg14: memref<!tpu.dma_semaphore, #tpu.memory_space<semaphore_mem>>, %arg15: memref<!tpu.dma_semaphore, #tpu.memory_space<semaphore_mem>>) attributes {dimension_semantics = [#tpu.dimension_semantics<core_parallel>, #tpu.dimension_semantics<subcore_parallel>], iteration_bounds = array<i64: 2, 16>, scalar_prefetch = 0 : i64, scratch_operands = 9 : i64, tpu.core_type = #tpu.core_type<sc_vector_subcore>, window_params = [{transform_indices = #map}, {transform_indices = #map}, {transform_indices = #map1}, {transform_indices = #map1}, {transform_indices = #map1}]} {
    %mul3A = arith.constant 632 : i32
    %mul3A_0 = arith.muli %arg1, %mul3A : i32
    "tpu.region"() ({
      %run_scoped3A = tpu.sem_alloc : memref<!tpu.dma_semaphore, #tpu.memory_space<semaphore_mem>>
      %dma_start3A = arith.constant 0 : i32
      %dma_start3A_13 = tpu.memref_slice %arg11[%mul3A_0, %dma_start3A] : memref<10112x128xf32, #tpu.memory_space<vmem_shared>> -> memref<632x128xf32, #tpu.memory_space<vmem_shared>>
      tpu.enqueue_dma source(%arg5 : memref<632x128xf32, #tpu.memory_space<hbm>>) target(%dma_start3A_13 : memref<632x128xf32, #tpu.memory_space<vmem_shared>>) target_semaphore(%run_scoped3A : memref<!tpu.dma_semaphore, #tpu.memory_space<semaphore_mem>>)
      %dma_wait3A = arith.constant 0 : i32
      %dma_wait3A_14 = tpu.memref_slice %arg11[%mul3A_0, %dma_wait3A] : memref<10112x128xf32, #tpu.memory_space<vmem_shared>> -> memref<632x128xf32, #tpu.memory_space<vmem_shared>>
      tpu.wait_dma2 semaphore(%run_scoped3A : memref<!tpu.dma_semaphore, #tpu.memory_space<semaphore_mem>>) src(%arg5 : memref<632x128xf32, #tpu.memory_space<hbm>>) dst(%dma_wait3A_14 : memref<632x128xf32, #tpu.memory_space<vmem_shared>>)
      tpu.yield
    }) : () -> ()
    %barrier3A = arith.constant 0 : index
    tpu.barrier barrier_id(%barrier3A)
    %scan3A = arith.constant 0 : i32
    %scan3A_1 = arith.constant 0 : i32
    %scan3A_2 = arith.constant 4 : i32
    %scan3A_3 = arith.addi %scan3A_1, %scan3A_2 : i32
    %scan3A_4 = arith.constant 1 : i32
    scf.for %scan3A_13 = %scan3A_1 to %scan3A_3 step %scan3A_4  : i32 {
      %mul3A_14 = arith.constant 40 : i32
      %mul3A_15 = arith.muli %scan3A_13, %mul3A_14 : i32
      "tpu.region"() ({
        %run_scoped3A = tpu.sem_alloc : memref<!tpu.dma_semaphore, #tpu.memory_space<semaphore_mem>>
        %dma_start3A_77 = arith.constant 0 : i32
        %dma_start3A_78 = tpu.memref_slice %arg3[%arg0, %arg1, %mul3A_15, %dma_start3A_77] : memref<2x16x160x128xi32, #tpu.memory_space<hbm>> -> memref<1x1x40x128xi32, #tpu.memory_space<hbm>>
        %dma_start3A_79 = tpu.memref_squeeze %dma_start3A_78 : memref<1x1x40x128xi32, #tpu.memory_space<hbm>> -> memref<40x128xi32, #tpu.memory_space<hbm>>
        %dma_start3A_80 = arith.constant 0 : i32
        %dma_start3A_81 = tpu.memref_slice %arg3[%arg0, %arg1, %mul3A_15, %dma_start3A_80] : memref<2x16x160x128xi32, #tpu.memory_space<hbm>> -> memref<1x1x40x128xi32, #tpu.memory_space<hbm>>
        %dma_start3A_82 = tpu.memref_squeeze %dma_start3A_81 : memref<1x1x40x128xi32, #tpu.memory_space<hbm>> -> memref<40x128xi32, #tpu.memory_space<hbm>>
        tpu.enqueue_dma source(%dma_start3A_82 : memref<40x128xi32, #tpu.memory_space<hbm>>) target(%arg8 : memref<40x128xi32, #tpu.memory_space<vmem>>) target_semaphore(%run_scoped3A : memref<!tpu.dma_semaphore, #tpu.memory_space<semaphore_mem>>)
        %dma_wait3A_83 = arith.constant 0 : i32
        %dma_wait3A_84 = tpu.memref_slice %arg3[%arg0, %arg1, %mul3A_15, %dma_wait3A_83] : memref<2x16x160x128xi32, #tpu.memory_space<hbm>> -> memref<1x1x40x128xi32, #tpu.memory_space<hbm>>
        %dma_wait3A_85 = tpu.memref_squeeze %dma_wait3A_84 : memref<1x1x40x128xi32, #tpu.memory_space<hbm>> -> memref<40x128xi32, #tpu.memory_space<hbm>>
        %dma_wait3A_86 = arith.constant 0 : i32
        %dma_wait3A_87 = tpu.memref_slice %arg3[%arg0, %arg1, %mul3A_15, %dma_wait3A_86] : memref<2x16x160x128xi32, #tpu.memory_space<hbm>> -> memref<1x1x40x128xi32, #tpu.memory_space<hbm>>
        %dma_wait3A_88 = tpu.memref_squeeze %dma_wait3A_87 : memref<1x1x40x128xi32, #tpu.memory_space<hbm>> -> memref<40x128xi32, #tpu.memory_space<hbm>>
        tpu.wait_dma2 semaphore(%run_scoped3A : memref<!tpu.dma_semaphore, #tpu.memory_space<semaphore_mem>>) src(%dma_wait3A_88 : memref<40x128xi32, #tpu.memory_space<hbm>>) dst(%arg8 : memref<40x128xi32, #tpu.memory_space<vmem>>)
        tpu.yield
      }) : () -> ()
      %mul3A_16 = arith.constant 40 : i32
      %mul3A_17 = arith.muli %scan3A_13, %mul3A_16 : i32
      "tpu.region"() ({
        %run_scoped3A = tpu.sem_alloc : memref<!tpu.dma_semaphore, #tpu.memory_space<semaphore_mem>>
        %dma_start3A_77 = arith.constant 0 : i32
        %dma_start3A_78 = tpu.memref_slice %arg2[%arg0, %arg1, %mul3A_17, %dma_start3A_77] : memref<2x16x160x128xi32, #tpu.memory_space<hbm>> -> memref<1x1x40x128xi32, #tpu.memory_space<hbm>>
        %dma_start3A_79 = tpu.memref_squeeze %dma_start3A_78 : memref<1x1x40x128xi32, #tpu.memory_space<hbm>> -> memref<40x128xi32, #tpu.memory_space<hbm>>
        %dma_start3A_80 = arith.constant 0 : i32
        %dma_start3A_81 = tpu.memref_slice %arg2[%arg0, %arg1, %mul3A_17, %dma_start3A_80] : memref<2x16x160x128xi32, #tpu.memory_space<hbm>> -> memref<1x1x40x128xi32, #tpu.memory_space<hbm>>
        %dma_start3A_82 = tpu.memref_squeeze %dma_start3A_81 : memref<1x1x40x128xi32, #tpu.memory_space<hbm>> -> memref<40x128xi32, #tpu.memory_space<hbm>>
        tpu.enqueue_dma source(%dma_start3A_82 : memref<40x128xi32, #tpu.memory_space<hbm>>) target(%arg7 : memref<40x128xi32, #tpu.memory_space<vmem>>) target_semaphore(%run_scoped3A : memref<!tpu.dma_semaphore, #tpu.memory_space<semaphore_mem>>)
        %dma_wait3A_83 = arith.constant 0 : i32
        %dma_wait3A_84 = tpu.memref_slice %arg2[%arg0, %arg1, %mul3A_17, %dma_wait3A_83] : memref<2x16x160x128xi32, #tpu.memory_space<hbm>> -> memref<1x1x40x128xi32, #tpu.memory_space<hbm>>
        %dma_wait3A_85 = tpu.memref_squeeze %dma_wait3A_84 : memref<1x1x40x128xi32, #tpu.memory_space<hbm>> -> memref<40x128xi32, #tpu.memory_space<hbm>>
        %dma_wait3A_86 = arith.constant 0 : i32
        %dma_wait3A_87 = tpu.memref_slice %arg2[%arg0, %arg1, %mul3A_17, %dma_wait3A_86] : memref<2x16x160x128xi32, #tpu.memory_space<hbm>> -> memref<1x1x40x128xi32, #tpu.memory_space<hbm>>
        %dma_wait3A_88 = tpu.memref_squeeze %dma_wait3A_87 : memref<1x1x40x128xi32, #tpu.memory_space<hbm>> -> memref<40x128xi32, #tpu.memory_space<hbm>>
        tpu.wait_dma2 semaphore(%run_scoped3A : memref<!tpu.dma_semaphore, #tpu.memory_space<semaphore_mem>>) src(%dma_wait3A_88 : memref<40x128xi32, #tpu.memory_space<hbm>>) dst(%arg7 : memref<40x128xi32, #tpu.memory_space<vmem>>)
        tpu.yield
      }) : () -> ()
      %dma_start3A = arith.constant 0 : i32
      %dma_start3A_18 = arith.constant 0 : i32
      %dma_start3A_19 = tpu.memref_slice %arg7[%dma_start3A, %dma_start3A_18] : memref<40x128xi32, #tpu.memory_space<vmem>> -> memref<1x128xi32, #tpu.memory_space<vmem>>
      %dma_start3A_20 = tpu.memref_squeeze %dma_start3A_19 : memref<1x128xi32, #tpu.memory_space<vmem>> -> memref<128xi32, #tpu.memory_space<vmem>>
      %dma_start3A_21 = arith.constant 0 : i32
      %dma_start3A_22 = arith.constant 0 : i32
      %dma_start3A_23 = tpu.memref_slice %arg4[%dma_start3A_21, %dma_start3A_22] : memref<20000x128xf32, #tpu.memory_space<hbm>> -> memref<20000x128xf32, #tpu.memory_space<hbm>>
      tpu.enqueue_indirect_dma source(%dma_start3A_23 : memref<20000x128xf32, #tpu.memory_space<hbm>>) target(%arg9 : memref<128x128xf32, #tpu.memory_space<vmem>>) offsets(%dma_start3A_20 : memref<128xi32, #tpu.memory_space<vmem>>) semaphore(%arg12 : memref<!tpu.dma_semaphore, #tpu.memory_space<semaphore_mem>>)
      %scan3A_24 = arith.constant 0 : i32
      %scan3A_25 = arith.constant 19 : i32
      %scan3A_26 = arith.addi %scan3A_24, %scan3A_25 : i32
      %scan3A_27 = arith.constant 1 : i32
      scf.for %scan3A_77 = %scan3A_24 to %scan3A_26 step %scan3A_27  : i32 {
        %mul3A_78 = arith.constant 2 : i32
        %mul3A_79 = arith.muli %mul3A_78, %scan3A_77 : i32
        %add3A_80 = arith.constant 1 : i32
        %add3A_81 = arith.addi %mul3A_79, %add3A_80 : i32
        %dma_wait3A_82 = arith.constant 0 : i32
        %dma_wait3A_83 = tpu.memref_slice %arg7[%mul3A_79, %dma_wait3A_82] : memref<40x128xi32, #tpu.memory_space<vmem>> -> memref<1x128xi32, #tpu.memory_space<vmem>>
        %dma_wait3A_84 = tpu.memref_squeeze %dma_wait3A_83 : memref<1x128xi32, #tpu.memory_space<vmem>> -> memref<128xi32, #tpu.memory_space<vmem>>
        %dma_wait3A_85 = arith.constant 0 : i32
        %dma_wait3A_86 = arith.constant 0 : i32
        %dma_wait3A_87 = tpu.memref_slice %arg4[%dma_wait3A_85, %dma_wait3A_86] : memref<20000x128xf32, #tpu.memory_space<hbm>> -> memref<20000x128xf32, #tpu.memory_space<hbm>>
        tpu.wait_indirect_dma semaphore(%arg12 : memref<!tpu.dma_semaphore, #tpu.memory_space<semaphore_mem>>) src(%dma_wait3A_87 : memref<20000x128xf32, #tpu.memory_space<hbm>>) dst(%arg9 : memref<128x128xf32, #tpu.memory_space<vmem>>)
        %dma_start3A_88 = arith.constant 0 : i32
        %dma_start3A_89 = tpu.memref_slice %arg7[%add3A_81, %dma_start3A_88] : memref<40x128xi32, #tpu.memory_space<vmem>> -> memref<1x128xi32, #tpu.memory_space<vmem>>
        %dma_start3A_90 = tpu.memref_squeeze %dma_start3A_89 : memref<1x128xi32, #tpu.memory_space<vmem>> -> memref<128xi32, #tpu.memory_space<vmem>>
        %dma_start3A_91 = arith.constant 0 : i32
        %dma_start3A_92 = arith.constant 0 : i32
        %dma_start3A_93 = tpu.memref_slice %arg4[%dma_start3A_91, %dma_start3A_92] : memref<20000x128xf32, #tpu.memory_space<hbm>> -> memref<20000x128xf32, #tpu.memory_space<hbm>>
        tpu.enqueue_indirect_dma source(%dma_start3A_93 : memref<20000x128xf32, #tpu.memory_space<hbm>>) target(%arg10 : memref<128x128xf32, #tpu.memory_space<vmem>>) offsets(%dma_start3A_90 : memref<128xi32, #tpu.memory_space<vmem>>) semaphore(%arg13 : memref<!tpu.dma_semaphore, #tpu.memory_space<semaphore_mem>>)
        %dma_start3A_94 = arith.constant 0 : i32
        %dma_start3A_95 = tpu.memref_slice %arg8[%mul3A_79, %dma_start3A_94] : memref<40x128xi32, #tpu.memory_space<vmem>> -> memref<1x128xi32, #tpu.memory_space<vmem>>
        %dma_start3A_96 = tpu.memref_squeeze %dma_start3A_95 : memref<1x128xi32, #tpu.memory_space<vmem>> -> memref<128xi32, #tpu.memory_space<vmem>>
        %dma_start3A_97 = arith.constant 0 : i32
        %dma_start3A_98 = arith.constant 0 : i32
        %dma_start3A_99 = tpu.memref_slice %arg11[%dma_start3A_97, %dma_start3A_98] : memref<10112x128xf32, #tpu.memory_space<vmem_shared>> -> memref<10112x128xf32, #tpu.memory_space<vmem_shared>>
        tpu.enqueue_indirect_dma source(%arg9 : memref<128x128xf32, #tpu.memory_space<vmem>>) target(%dma_start3A_99 : memref<10112x128xf32, #tpu.memory_space<vmem_shared>>) offsets(%dma_start3A_96 : memref<128xi32, #tpu.memory_space<vmem>>) semaphore(%arg14 : memref<!tpu.dma_semaphore, #tpu.memory_space<semaphore_mem>>) {add = true}
        %dma_wait3A_100 = arith.constant 0 : i32
        %dma_wait3A_101 = tpu.memref_slice %arg7[%add3A_81, %dma_wait3A_100] : memref<40x128xi32, #tpu.memory_space<vmem>> -> memref<1x128xi32, #tpu.memory_space<vmem>>
        %dma_wait3A_102 = tpu.memref_squeeze %dma_wait3A_101 : memref<1x128xi32, #tpu.memory_space<vmem>> -> memref<128xi32, #tpu.memory_space<vmem>>
        %dma_wait3A_103 = arith.constant 0 : i32
        %dma_wait3A_104 = arith.constant 0 : i32
        %dma_wait3A_105 = tpu.memref_slice %arg4[%dma_wait3A_103, %dma_wait3A_104] : memref<20000x128xf32, #tpu.memory_space<hbm>> -> memref<20000x128xf32, #tpu.memory_space<hbm>>
        tpu.wait_indirect_dma semaphore(%arg13 : memref<!tpu.dma_semaphore, #tpu.memory_space<semaphore_mem>>) src(%dma_wait3A_105 : memref<20000x128xf32, #tpu.memory_space<hbm>>) dst(%arg10 : memref<128x128xf32, #tpu.memory_space<vmem>>)
        %dma_wait3A_106 = arith.constant 0 : i32
        %dma_wait3A_107 = tpu.memref_slice %arg8[%mul3A_79, %dma_wait3A_106] : memref<40x128xi32, #tpu.memory_space<vmem>> -> memref<1x128xi32, #tpu.memory_space<vmem>>
        %dma_wait3A_108 = tpu.memref_squeeze %dma_wait3A_107 : memref<1x128xi32, #tpu.memory_space<vmem>> -> memref<128xi32, #tpu.memory_space<vmem>>
        %dma_wait3A_109 = arith.constant 0 : i32
        %dma_wait3A_110 = arith.constant 0 : i32
        %dma_wait3A_111 = tpu.memref_slice %arg11[%dma_wait3A_109, %dma_wait3A_110] : memref<10112x128xf32, #tpu.memory_space<vmem_shared>> -> memref<10112x128xf32, #tpu.memory_space<vmem_shared>>
        tpu.wait_indirect_dma semaphore(%arg14 : memref<!tpu.dma_semaphore, #tpu.memory_space<semaphore_mem>>) src(%arg9 : memref<128x128xf32, #tpu.memory_space<vmem>>) dst(%dma_wait3A_111 : memref<10112x128xf32, #tpu.memory_space<vmem_shared>>)
        %add3A_112 = arith.constant 1 : i32
        %add3A_113 = arith.addi %add3A_81, %add3A_112 : i32
        %dma_start3A_114 = arith.constant 0 : i32
        %dma_start3A_115 = tpu.memref_slice %arg7[%add3A_113, %dma_start3A_114] : memref<40x128xi32, #tpu.memory_space<vmem>> -> memref<1x128xi32, #tpu.memory_space<vmem>>
        %dma_start3A_116 = tpu.memref_squeeze %dma_start3A_115 : memref<1x128xi32, #tpu.memory_space<vmem>> -> memref<128xi32, #tpu.memory_space<vmem>>
        %dma_start3A_117 = arith.constant 0 : i32
        %dma_start3A_118 = arith.constant 0 : i32
        %dma_start3A_119 = tpu.memref_slice %arg4[%dma_start3A_117, %dma_start3A_118] : memref<20000x128xf32, #tpu.memory_space<hbm>> -> memref<20000x128xf32, #tpu.memory_space<hbm>>
        tpu.enqueue_indirect_dma source(%dma_start3A_119 : memref<20000x128xf32, #tpu.memory_space<hbm>>) target(%arg9 : memref<128x128xf32, #tpu.memory_space<vmem>>) offsets(%dma_start3A_116 : memref<128xi32, #tpu.memory_space<vmem>>) semaphore(%arg12 : memref<!tpu.dma_semaphore, #tpu.memory_space<semaphore_mem>>)
        %dma_start3A_120 = arith.constant 0 : i32
        %dma_start3A_121 = tpu.memref_slice %arg8[%add3A_81, %dma_start3A_120] : memref<40x128xi32, #tpu.memory_space<vmem>> -> memref<1x128xi32, #tpu.memory_space<vmem>>
        %dma_start3A_122 = tpu.memref_squeeze %dma_start3A_121 : memref<1x128xi32, #tpu.memory_space<vmem>> -> memref<128xi32, #tpu.memory_space<vmem>>
        %dma_start3A_123 = arith.constant 0 : i32
        %dma_start3A_124 = arith.constant 0 : i32
        %dma_start3A_125 = tpu.memref_slice %arg11[%dma_start3A_123, %dma_start3A_124] : memref<10112x128xf32, #tpu.memory_space<vmem_shared>> -> memref<10112x128xf32, #tpu.memory_space<vmem_shared>>
        tpu.enqueue_indirect_dma source(%arg10 : memref<128x128xf32, #tpu.memory_space<vmem>>) target(%dma_start3A_125 : memref<10112x128xf32, #tpu.memory_space<vmem_shared>>) offsets(%dma_start3A_122 : memref<128xi32, #tpu.memory_space<vmem>>) semaphore(%arg15 : memref<!tpu.dma_semaphore, #tpu.memory_space<semaphore_mem>>) {add = true}
        %dma_wait3A_126 = arith.constant 0 : i32
        %dma_wait3A_127 = tpu.memref_slice %arg8[%add3A_81, %dma_wait3A_126] : memref<40x128xi32, #tpu.memory_space<vmem>> -> memref<1x128xi32, #tpu.memory_space<vmem>>
        %dma_wait3A_128 = tpu.memref_squeeze %dma_wait3A_127 : memref<1x128xi32, #tpu.memory_space<vmem>> -> memref<128xi32, #tpu.memory_space<vmem>>
        %dma_wait3A_129 = arith.constant 0 : i32
        %dma_wait3A_130 = arith.constant 0 : i32
        %dma_wait3A_131 = tpu.memref_slice %arg11[%dma_wait3A_129, %dma_wait3A_130] : memref<10112x128xf32, #tpu.memory_space<vmem_shared>> -> memref<10112x128xf32, #tpu.memory_space<vmem_shared>>
        tpu.wait_indirect_dma semaphore(%arg15 : memref<!tpu.dma_semaphore, #tpu.memory_space<semaphore_mem>>) src(%arg10 : memref<128x128xf32, #tpu.memory_space<vmem>>) dst(%dma_wait3A_131 : memref<10112x128xf32, #tpu.memory_space<vmem_shared>>)
      }
      %scan3A_28 = arith.constant 19 : i32
      %dma_wait3A = arith.constant 38 : i32
      %dma_wait3A_29 = arith.constant 0 : i32
      %dma_wait3A_30 = tpu.memref_slice %arg7[%dma_wait3A, %dma_wait3A_29] : memref<40x128xi32, #tpu.memory_space<vmem>> -> memref<1x128xi32, #tpu.memory_space<vmem>>
      %dma_wait3A_31 = tpu.memref_squeeze %dma_wait3A_30 : memref<1x128xi32, #tpu.memory_space<vmem>> -> memref<128xi32, #tpu.memory_space<vmem>>
      %dma_wait3A_32 = arith.constant 0 : i32
      %dma_wait3A_33 = arith.constant 0 : i32
      %dma_wait3A_34 = tpu.memref_slice %arg4[%dma_wait3A_32, %dma_wait3A_33] : memref<20000x128xf32, #tpu.memory_space<hbm>> -> memref<20000x128xf32, #tpu.memory_space<hbm>>
      tpu.wait_indirect_dma semaphore(%arg12 : memref<!tpu.dma_semaphore, #tpu.memory_space<semaphore_mem>>) src(%dma_wait3A_34 : memref<20000x128xf32, #tpu.memory_space<hbm>>) dst(%arg9 : memref<128x128xf32, #tpu.memory_space<vmem>>)
      %dma_start3A_35 = arith.constant 39 : i32
      %dma_start3A_36 = arith.constant 0 : i32
      %dma_start3A_37 = tpu.memref_slice %arg7[%dma_start3A_35, %dma_start3A_36] : memref<40x128xi32, #tpu.memory_space<vmem>> -> memref<1x128xi32, #tpu.memory_space<vmem>>
      %dma_start3A_38 = tpu.memref_squeeze %dma_start3A_37 : memref<1x128xi32, #tpu.memory_space<vmem>> -> memref<128xi32, #tpu.memory_space<vmem>>
      %dma_start3A_39 = arith.constant 0 : i32
      %dma_start3A_40 = arith.constant 0 : i32
      %dma_start3A_41 = tpu.memref_slice %arg4[%dma_start3A_39, %dma_start3A_40] : memref<20000x128xf32, #tpu.memory_space<hbm>> -> memref<20000x128xf32, #tpu.memory_space<hbm>>
      tpu.enqueue_indirect_dma source(%dma_start3A_41 : memref<20000x128xf32, #tpu.memory_space<hbm>>) target(%arg10 : memref<128x128xf32, #tpu.memory_space<vmem>>) offsets(%dma_start3A_38 : memref<128xi32, #tpu.memory_space<vmem>>) semaphore(%arg13 : memref<!tpu.dma_semaphore, #tpu.memory_space<semaphore_mem>>)
      %dma_start3A_42 = arith.constant 38 : i32
      %dma_start3A_43 = arith.constant 0 : i32
      %dma_start3A_44 = tpu.memref_slice %arg8[%dma_start3A_42, %dma_start3A_43] : memref<40x128xi32, #tpu.memory_space<vmem>> -> memref<1x128xi32, #tpu.memory_space<vmem>>
      %dma_start3A_45 = tpu.memref_squeeze %dma_start3A_44 : memref<1x128xi32, #tpu.memory_space<vmem>> -> memref<128xi32, #tpu.memory_space<vmem>>
      %dma_start3A_46 = arith.constant 0 : i32
      %dma_start3A_47 = arith.constant 0 : i32
      %dma_start3A_48 = tpu.memref_slice %arg11[%dma_start3A_46, %dma_start3A_47] : memref<10112x128xf32, #tpu.memory_space<vmem_shared>> -> memref<10112x128xf32, #tpu.memory_space<vmem_shared>>
      tpu.enqueue_indirect_dma source(%arg9 : memref<128x128xf32, #tpu.memory_space<vmem>>) target(%dma_start3A_48 : memref<10112x128xf32, #tpu.memory_space<vmem_shared>>) offsets(%dma_start3A_45 : memref<128xi32, #tpu.memory_space<vmem>>) semaphore(%arg14 : memref<!tpu.dma_semaphore, #tpu.memory_space<semaphore_mem>>) {add = true}
      %dma_wait3A_49 = arith.constant 39 : i32
      %dma_wait3A_50 = arith.constant 0 : i32
      %dma_wait3A_51 = tpu.memref_slice %arg7[%dma_wait3A_49, %dma_wait3A_50] : memref<40x128xi32, #tpu.memory_space<vmem>> -> memref<1x128xi32, #tpu.memory_space<vmem>>
      %dma_wait3A_52 = tpu.memref_squeeze %dma_wait3A_51 : memref<1x128xi32, #tpu.memory_space<vmem>> -> memref<128xi32, #tpu.memory_space<vmem>>
      %dma_wait3A_53 = arith.constant 0 : i32
      %dma_wait3A_54 = arith.constant 0 : i32
      %dma_wait3A_55 = tpu.memref_slice %arg4[%dma_wait3A_53, %dma_wait3A_54] : memref<20000x128xf32, #tpu.memory_space<hbm>> -> memref<20000x128xf32, #tpu.memory_space<hbm>>
      tpu.wait_indirect_dma semaphore(%arg13 : memref<!tpu.dma_semaphore, #tpu.memory_space<semaphore_mem>>) src(%dma_wait3A_55 : memref<20000x128xf32, #tpu.memory_space<hbm>>) dst(%arg10 : memref<128x128xf32, #tpu.memory_space<vmem>>)
      %dma_wait3A_56 = arith.constant 38 : i32
      %dma_wait3A_57 = arith.constant 0 : i32
      %dma_wait3A_58 = tpu.memref_slice %arg8[%dma_wait3A_56, %dma_wait3A_57] : memref<40x128xi32, #tpu.memory_space<vmem>> -> memref<1x128xi32, #tpu.memory_space<vmem>>
      %dma_wait3A_59 = tpu.memref_squeeze %dma_wait3A_58 : memref<1x128xi32, #tpu.memory_space<vmem>> -> memref<128xi32, #tpu.memory_space<vmem>>
      %dma_wait3A_60 = arith.constant 0 : i32
      %dma_wait3A_61 = arith.constant 0 : i32
      %dma_wait3A_62 = tpu.memref_slice %arg11[%dma_wait3A_60, %dma_wait3A_61] : memref<10112x128xf32, #tpu.memory_space<vmem_shared>> -> memref<10112x128xf32, #tpu.memory_space<vmem_shared>>
      tpu.wait_indirect_dma semaphore(%arg14 : memref<!tpu.dma_semaphore, #tpu.memory_space<semaphore_mem>>) src(%arg9 : memref<128x128xf32, #tpu.memory_space<vmem>>) dst(%dma_wait3A_62 : memref<10112x128xf32, #tpu.memory_space<vmem_shared>>)
      %dma_start3A_63 = arith.constant 39 : i32
      %dma_start3A_64 = arith.constant 0 : i32
      %dma_start3A_65 = tpu.memref_slice %arg8[%dma_start3A_63, %dma_start3A_64] : memref<40x128xi32, #tpu.memory_space<vmem>> -> memref<1x128xi32, #tpu.memory_space<vmem>>
      %dma_start3A_66 = tpu.memref_squeeze %dma_start3A_65 : memref<1x128xi32, #tpu.memory_space<vmem>> -> memref<128xi32, #tpu.memory_space<vmem>>
      %dma_start3A_67 = arith.constant 0 : i32
      %dma_start3A_68 = arith.constant 0 : i32
      %dma_start3A_69 = tpu.memref_slice %arg11[%dma_start3A_67, %dma_start3A_68] : memref<10112x128xf32, #tpu.memory_space<vmem_shared>> -> memref<10112x128xf32, #tpu.memory_space<vmem_shared>>
      tpu.enqueue_indirect_dma source(%arg10 : memref<128x128xf32, #tpu.memory_space<vmem>>) target(%dma_start3A_69 : memref<10112x128xf32, #tpu.memory_space<vmem_shared>>) offsets(%dma_start3A_66 : memref<128xi32, #tpu.memory_space<vmem>>) semaphore(%arg15 : memref<!tpu.dma_semaphore, #tpu.memory_space<semaphore_mem>>) {add = true}
      %dma_wait3A_70 = arith.constant 39 : i32
      %dma_wait3A_71 = arith.constant 0 : i32
      %dma_wait3A_72 = tpu.memref_slice %arg8[%dma_wait3A_70, %dma_wait3A_71] : memref<40x128xi32, #tpu.memory_space<vmem>> -> memref<1x128xi32, #tpu.memory_space<vmem>>
      %dma_wait3A_73 = tpu.memref_squeeze %dma_wait3A_72 : memref<1x128xi32, #tpu.memory_space<vmem>> -> memref<128xi32, #tpu.memory_space<vmem>>
      %dma_wait3A_74 = arith.constant 0 : i32
      %dma_wait3A_75 = arith.constant 0 : i32
      %dma_wait3A_76 = tpu.memref_slice %arg11[%dma_wait3A_74, %dma_wait3A_75] : memref<10112x128xf32, #tpu.memory_space<vmem_shared>> -> memref<10112x128xf32, #tpu.memory_space<vmem_shared>>
      tpu.wait_indirect_dma semaphore(%arg15 : memref<!tpu.dma_semaphore, #tpu.memory_space<semaphore_mem>>) src(%arg10 : memref<128x128xf32, #tpu.memory_space<vmem>>) dst(%dma_wait3A_76 : memref<10112x128xf32, #tpu.memory_space<vmem_shared>>)
    }
    %scan3A_5 = arith.constant 4 : i32
    %barrier3A_6 = arith.constant 0 : index
    tpu.barrier barrier_id(%barrier3A_6)
    %mul3A_7 = arith.constant 632 : i32
    %mul3A_8 = arith.muli %arg1, %mul3A_7 : i32
    %mul3A_9 = arith.constant 10400 : i32
    %mul3A_10 = arith.muli %arg0, %mul3A_9 : i32
    %mul3A_11 = arith.constant 632 : i32
    %mul3A_12 = arith.muli %arg1, %mul3A_11 : i32
    %add3A = arith.addi %mul3A_10, %mul3A_12 : i32
    "tpu.region"() ({
      %run_scoped3A = tpu.sem_alloc : memref<!tpu.dma_semaphore, #tpu.memory_space<semaphore_mem>>
      %dma_start3A = arith.constant 0 : i32
      %dma_start3A_13 = tpu.memref_slice %arg6[%add3A, %dma_start3A] : memref<20800x128xf32, #tpu.memory_space<hbm>> -> memref<632x128xf32, #tpu.memory_space<hbm>>
      %dma_start3A_14 = arith.constant 0 : i32
      %dma_start3A_15 = tpu.memref_slice %arg11[%mul3A_8, %dma_start3A_14] : memref<10112x128xf32, #tpu.memory_space<vmem_shared>> -> memref<632x128xf32, #tpu.memory_space<vmem_shared>>
      tpu.enqueue_dma source(%dma_start3A_15 : memref<632x128xf32, #tpu.memory_space<vmem_shared>>) target(%dma_start3A_13 : memref<632x128xf32, #tpu.memory_space<hbm>>) target_semaphore(%run_scoped3A : memref<!tpu.dma_semaphore, #tpu.memory_space<semaphore_mem>>)
      %dma_wait3A = arith.constant 0 : i32
      %dma_wait3A_16 = tpu.memref_slice %arg6[%add3A, %dma_wait3A] : memref<20800x128xf32, #tpu.memory_space<hbm>> -> memref<632x128xf32, #tpu.memory_space<hbm>>
      %dma_wait3A_17 = arith.constant 0 : i32
      %dma_wait3A_18 = tpu.memref_slice %arg11[%mul3A_8, %dma_wait3A_17] : memref<10112x128xf32, #tpu.memory_space<vmem_shared>> -> memref<632x128xf32, #tpu.memory_space<vmem_shared>>
      tpu.wait_dma2 semaphore(%run_scoped3A : memref<!tpu.dma_semaphore, #tpu.memory_space<semaphore_mem>>) src(%dma_wait3A_18 : memref<632x128xf32, #tpu.memory_space<vmem_shared>>) dst(%dma_wait3A_16 : memref<632x128xf32, #tpu.memory_space<hbm>>)
      tpu.yield
    }) : () -> ()
    return
  }
}

#map = affine_map<(d0, d1) -> (0, 0, 0, 0)>
#map1 = affine_map<(d0, d1) -> (0, 0)>
module attributes {stable_mosaic.version = 14 : i64} {
  func.func @k(%arg0: i32, %arg1: i32, %arg2: memref<2x16x80x128xi32, #tpu.memory_space<hbm>>, %arg3: memref<128x128xf32, #tpu.memory_space<hbm>>, %arg4: memref<632x128xf32, #tpu.memory_space<hbm>>, %arg5: memref<20800x128xf32, #tpu.memory_space<hbm>>, %arg6: memref<80x128xi32, #tpu.memory_space<vmem>>, %arg7: memref<128x128xf32, #tpu.memory_space<vmem>>, %arg8: memref<10112x128xf32, #tpu.memory_space<vmem_shared>>) attributes {dimension_semantics = [#tpu.dimension_semantics<core_parallel>, #tpu.dimension_semantics<subcore_parallel>], iteration_bounds = array<i64: 2, 16>, scalar_prefetch = 0 : i64, scratch_operands = 3 : i64, tpu.core_type = #tpu.core_type<sc_vector_subcore>, window_params = [{transform_indices = #map}, {transform_indices = #map1}, {transform_indices = #map1}, {transform_indices = #map1}]} {
    %mul3A = arith.constant 632 : i32
    %mul3A_0 = arith.muli %arg1, %mul3A : i32
    "tpu.region"() ({
      %run_scoped3A = tpu.sem_alloc : memref<!tpu.dma_semaphore, #tpu.memory_space<semaphore_mem>>
      %dma_start3A = arith.constant 0 : i32
      %dma_start3A_13 = tpu.memref_slice %arg8[%mul3A_0, %dma_start3A] : memref<10112x128xf32, #tpu.memory_space<vmem_shared>> -> memref<632x128xf32, #tpu.memory_space<vmem_shared>>
      tpu.enqueue_dma source(%arg4 : memref<632x128xf32, #tpu.memory_space<hbm>>) target(%dma_start3A_13 : memref<632x128xf32, #tpu.memory_space<vmem_shared>>) target_semaphore(%run_scoped3A : memref<!tpu.dma_semaphore, #tpu.memory_space<semaphore_mem>>)
      %dma_wait3A = arith.constant 0 : i32
      %dma_wait3A_14 = tpu.memref_slice %arg8[%mul3A_0, %dma_wait3A] : memref<10112x128xf32, #tpu.memory_space<vmem_shared>> -> memref<632x128xf32, #tpu.memory_space<vmem_shared>>
      tpu.wait_dma2 semaphore(%run_scoped3A : memref<!tpu.dma_semaphore, #tpu.memory_space<semaphore_mem>>) src(%arg4 : memref<632x128xf32, #tpu.memory_space<hbm>>) dst(%dma_wait3A_14 : memref<632x128xf32, #tpu.memory_space<vmem_shared>>)
      tpu.yield
    }) : () -> ()
    "tpu.region"() ({
      %run_scoped3A = tpu.sem_alloc : memref<!tpu.dma_semaphore, #tpu.memory_space<semaphore_mem>>
      %dma_start3A = arith.constant 0 : i32
      %dma_start3A_13 = arith.constant 0 : i32
      %dma_start3A_14 = tpu.memref_slice %arg2[%arg0, %arg1, %dma_start3A, %dma_start3A_13] : memref<2x16x80x128xi32, #tpu.memory_space<hbm>> -> memref<1x1x80x128xi32, #tpu.memory_space<hbm>>
      %dma_start3A_15 = tpu.memref_squeeze %dma_start3A_14 : memref<1x1x80x128xi32, #tpu.memory_space<hbm>> -> memref<80x128xi32, #tpu.memory_space<hbm>>
      %dma_start3A_16 = arith.constant 0 : i32
      %dma_start3A_17 = arith.constant 0 : i32
      %dma_start3A_18 = tpu.memref_slice %arg2[%arg0, %arg1, %dma_start3A_16, %dma_start3A_17] : memref<2x16x80x128xi32, #tpu.memory_space<hbm>> -> memref<1x1x80x128xi32, #tpu.memory_space<hbm>>
      %dma_start3A_19 = tpu.memref_squeeze %dma_start3A_18 : memref<1x1x80x128xi32, #tpu.memory_space<hbm>> -> memref<80x128xi32, #tpu.memory_space<hbm>>
      tpu.enqueue_dma source(%dma_start3A_19 : memref<80x128xi32, #tpu.memory_space<hbm>>) target(%arg6 : memref<80x128xi32, #tpu.memory_space<vmem>>) target_semaphore(%run_scoped3A : memref<!tpu.dma_semaphore, #tpu.memory_space<semaphore_mem>>)
      %dma_wait3A = arith.constant 0 : i32
      %dma_wait3A_20 = arith.constant 0 : i32
      %dma_wait3A_21 = tpu.memref_slice %arg2[%arg0, %arg1, %dma_wait3A, %dma_wait3A_20] : memref<2x16x80x128xi32, #tpu.memory_space<hbm>> -> memref<1x1x80x128xi32, #tpu.memory_space<hbm>>
      %dma_wait3A_22 = tpu.memref_squeeze %dma_wait3A_21 : memref<1x1x80x128xi32, #tpu.memory_space<hbm>> -> memref<80x128xi32, #tpu.memory_space<hbm>>
      %dma_wait3A_23 = arith.constant 0 : i32
      %dma_wait3A_24 = arith.constant 0 : i32
      %dma_wait3A_25 = tpu.memref_slice %arg2[%arg0, %arg1, %dma_wait3A_23, %dma_wait3A_24] : memref<2x16x80x128xi32, #tpu.memory_space<hbm>> -> memref<1x1x80x128xi32, #tpu.memory_space<hbm>>
      %dma_wait3A_26 = tpu.memref_squeeze %dma_wait3A_25 : memref<1x1x80x128xi32, #tpu.memory_space<hbm>> -> memref<80x128xi32, #tpu.memory_space<hbm>>
      tpu.wait_dma2 semaphore(%run_scoped3A : memref<!tpu.dma_semaphore, #tpu.memory_space<semaphore_mem>>) src(%dma_wait3A_26 : memref<80x128xi32, #tpu.memory_space<hbm>>) dst(%arg6 : memref<80x128xi32, #tpu.memory_space<vmem>>)
      tpu.yield
    }) : () -> ()
    "tpu.region"() ({
      %run_scoped3A = tpu.sem_alloc : memref<!tpu.dma_semaphore, #tpu.memory_space<semaphore_mem>>
      tpu.enqueue_dma source(%arg3 : memref<128x128xf32, #tpu.memory_space<hbm>>) target(%arg7 : memref<128x128xf32, #tpu.memory_space<vmem>>) target_semaphore(%run_scoped3A : memref<!tpu.dma_semaphore, #tpu.memory_space<semaphore_mem>>)
      tpu.wait_dma2 semaphore(%run_scoped3A : memref<!tpu.dma_semaphore, #tpu.memory_space<semaphore_mem>>) src(%arg3 : memref<128x128xf32, #tpu.memory_space<hbm>>) dst(%arg7 : memref<128x128xf32, #tpu.memory_space<vmem>>)
      tpu.yield
    }) : () -> ()
    %barrier3A = arith.constant 0 : index
    tpu.barrier barrier_id(%barrier3A)
    %scan3A = arith.constant 0 : i32
    %scan3A_1 = arith.constant 0 : i32
    %scan3A_2 = arith.constant 80 : i32
    %scan3A_3 = arith.addi %scan3A_1, %scan3A_2 : i32
    %scan3A_4 = arith.constant 1 : i32
    scf.for %scan3A_13 = %scan3A_1 to %scan3A_3 step %scan3A_4  : i32 {
      "tpu.region"() ({
        %run_scoped3A = tpu.sem_alloc : memref<!tpu.dma_semaphore, #tpu.memory_space<semaphore_mem>>
        %dma_start3A = arith.constant 0 : i32
        %dma_start3A_14 = tpu.memref_slice %arg6[%scan3A_13, %dma_start3A] : memref<80x128xi32, #tpu.memory_space<vmem>> -> memref<1x128xi32, #tpu.memory_space<vmem>>
        %dma_start3A_15 = tpu.memref_squeeze %dma_start3A_14 : memref<1x128xi32, #tpu.memory_space<vmem>> -> memref<128xi32, #tpu.memory_space<vmem>>
        %dma_start3A_16 = arith.constant 0 : i32
        %dma_start3A_17 = arith.constant 0 : i32
        %dma_start3A_18 = tpu.memref_slice %arg8[%dma_start3A_16, %dma_start3A_17] : memref<10112x128xf32, #tpu.memory_space<vmem_shared>> -> memref<10112x128xf32, #tpu.memory_space<vmem_shared>>
        tpu.enqueue_indirect_dma source(%arg7 : memref<128x128xf32, #tpu.memory_space<vmem>>) target(%dma_start3A_18 : memref<10112x128xf32, #tpu.memory_space<vmem_shared>>) offsets(%dma_start3A_15 : memref<128xi32, #tpu.memory_space<vmem>>) semaphore(%run_scoped3A : memref<!tpu.dma_semaphore, #tpu.memory_space<semaphore_mem>>) {add = true}
        %dma_wait3A = arith.constant 0 : i32
        %dma_wait3A_19 = tpu.memref_slice %arg6[%scan3A_13, %dma_wait3A] : memref<80x128xi32, #tpu.memory_space<vmem>> -> memref<1x128xi32, #tpu.memory_space<vmem>>
        %dma_wait3A_20 = tpu.memref_squeeze %dma_wait3A_19 : memref<1x128xi32, #tpu.memory_space<vmem>> -> memref<128xi32, #tpu.memory_space<vmem>>
        %dma_wait3A_21 = arith.constant 0 : i32
        %dma_wait3A_22 = arith.constant 0 : i32
        %dma_wait3A_23 = tpu.memref_slice %arg8[%dma_wait3A_21, %dma_wait3A_22] : memref<10112x128xf32, #tpu.memory_space<vmem_shared>> -> memref<10112x128xf32, #tpu.memory_space<vmem_shared>>
        tpu.wait_indirect_dma semaphore(%run_scoped3A : memref<!tpu.dma_semaphore, #tpu.memory_space<semaphore_mem>>) src(%arg7 : memref<128x128xf32, #tpu.memory_space<vmem>>) dst(%dma_wait3A_23 : memref<10112x128xf32, #tpu.memory_space<vmem_shared>>)
        tpu.yield
      }) : () -> ()
    }
    %scan3A_5 = arith.constant 80 : i32
    %barrier3A_6 = arith.constant 0 : index
    tpu.barrier barrier_id(%barrier3A_6)
    %mul3A_7 = arith.constant 632 : i32
    %mul3A_8 = arith.muli %arg1, %mul3A_7 : i32
    %mul3A_9 = arith.constant 10400 : i32
    %mul3A_10 = arith.muli %arg0, %mul3A_9 : i32
    %mul3A_11 = arith.constant 632 : i32
    %mul3A_12 = arith.muli %arg1, %mul3A_11 : i32
    %add3A = arith.addi %mul3A_10, %mul3A_12 : i32
    "tpu.region"() ({
      %run_scoped3A = tpu.sem_alloc : memref<!tpu.dma_semaphore, #tpu.memory_space<semaphore_mem>>
      %dma_start3A = arith.constant 0 : i32
      %dma_start3A_13 = tpu.memref_slice %arg5[%add3A, %dma_start3A] : memref<20800x128xf32, #tpu.memory_space<hbm>> -> memref<632x128xf32, #tpu.memory_space<hbm>>
      %dma_start3A_14 = arith.constant 0 : i32
      %dma_start3A_15 = tpu.memref_slice %arg8[%mul3A_8, %dma_start3A_14] : memref<10112x128xf32, #tpu.memory_space<vmem_shared>> -> memref<632x128xf32, #tpu.memory_space<vmem_shared>>
      tpu.enqueue_dma source(%dma_start3A_15 : memref<632x128xf32, #tpu.memory_space<vmem_shared>>) target(%dma_start3A_13 : memref<632x128xf32, #tpu.memory_space<hbm>>) target_semaphore(%run_scoped3A : memref<!tpu.dma_semaphore, #tpu.memory_space<semaphore_mem>>)
      %dma_wait3A = arith.constant 0 : i32
      %dma_wait3A_16 = tpu.memref_slice %arg5[%add3A, %dma_wait3A] : memref<20800x128xf32, #tpu.memory_space<hbm>> -> memref<632x128xf32, #tpu.memory_space<hbm>>
      %dma_wait3A_17 = arith.constant 0 : i32
      %dma_wait3A_18 = tpu.memref_slice %arg8[%mul3A_8, %dma_wait3A_17] : memref<10112x128xf32, #tpu.memory_space<vmem_shared>> -> memref<632x128xf32, #tpu.memory_space<vmem_shared>>
      tpu.wait_dma2 semaphore(%run_scoped3A : memref<!tpu.dma_semaphore, #tpu.memory_space<semaphore_mem>>) src(%dma_wait3A_18 : memref<632x128xf32, #tpu.memory_space<vmem_shared>>) dst(%dma_wait3A_16 : memref<632x128xf32, #tpu.memory_space<hbm>>)
      tpu.yield
    }) : () -> ()
    return
  }
}

#map = affine_map<(d0, d1) -> (0, 0, 0, 0)>
#map1 = affine_map<(d0, d1) -> (0, 0)>
module attributes {stable_mosaic.version = 14 : i64} {
  func.func @k(%arg0: i32, %arg1: i32, %arg2: memref<2x16x160x128xi32, #tpu.memory_space<hbm>>, %arg3: memref<2x16x160x128xi32, #tpu.memory_space<hbm>>, %arg4: memref<20000x128xf32, #tpu.memory_space<hbm>>, %arg5: memref<632x128xf32, #tpu.memory_space<hbm>>, %arg6: memref<20800x128xf32, #tpu.memory_space<hbm>>, %arg7: memref<40x128xi32, #tpu.memory_space<vmem>>, %arg8: memref<40x128xi32, #tpu.memory_space<vmem>>, %arg9: memref<128x128xf32, #tpu.memory_space<vmem>>, %arg10: memref<128x128xf32, #tpu.memory_space<vmem>>, %arg11: memref<10112x128xf32, #tpu.memory_space<vmem_shared>>, %arg12: memref<!tpu.dma_semaphore, #tpu.memory_space<semaphore_mem>>, %arg13: memref<!tpu.dma_semaphore, #tpu.memory_space<semaphore_mem>>, %arg14: memref<!tpu.dma_semaphore, #tpu.memory_space<semaphore_mem>>, %arg15: memref<!tpu.dma_semaphore, #tpu.memory_space<semaphore_mem>>) attributes {dimension_semantics = [#tpu.dimension_semantics<core_parallel>, #tpu.dimension_semantics<subcore_parallel>], iteration_bounds = array<i64: 2, 16>, scalar_prefetch = 0 : i64, scratch_operands = 9 : i64, tpu.core_type = #tpu.core_type<sc_vector_subcore>, window_params = [{transform_indices = #map}, {transform_indices = #map}, {transform_indices = #map1}, {transform_indices = #map1}, {transform_indices = #map1}]} {
    %mul3A = arith.constant 632 : i32
    %mul3A_0 = arith.muli %arg1, %mul3A : i32
    "tpu.region"() ({
      %run_scoped3A = tpu.sem_alloc : memref<!tpu.dma_semaphore, #tpu.memory_space<semaphore_mem>>
      %dma_start3A = arith.constant 0 : i32
      %dma_start3A_13 = tpu.memref_slice %arg11[%mul3A_0, %dma_start3A] : memref<10112x128xf32, #tpu.memory_space<vmem_shared>> -> memref<632x128xf32, #tpu.memory_space<vmem_shared>>
      tpu.enqueue_dma source(%arg5 : memref<632x128xf32, #tpu.memory_space<hbm>>) target(%dma_start3A_13 : memref<632x128xf32, #tpu.memory_space<vmem_shared>>) target_semaphore(%run_scoped3A : memref<!tpu.dma_semaphore, #tpu.memory_space<semaphore_mem>>)
      %dma_wait3A = arith.constant 0 : i32
      %dma_wait3A_14 = tpu.memref_slice %arg11[%mul3A_0, %dma_wait3A] : memref<10112x128xf32, #tpu.memory_space<vmem_shared>> -> memref<632x128xf32, #tpu.memory_space<vmem_shared>>
      tpu.wait_dma2 semaphore(%run_scoped3A : memref<!tpu.dma_semaphore, #tpu.memory_space<semaphore_mem>>) src(%arg5 : memref<632x128xf32, #tpu.memory_space<hbm>>) dst(%dma_wait3A_14 : memref<632x128xf32, #tpu.memory_space<vmem_shared>>)
      tpu.yield
    }) : () -> ()
    %barrier3A = arith.constant 0 : index
    tpu.barrier barrier_id(%barrier3A)
    %scan3A = arith.constant 0 : i32
    %scan3A_1 = arith.constant 0 : i32
    %scan3A_2 = arith.constant 4 : i32
    %scan3A_3 = arith.addi %scan3A_1, %scan3A_2 : i32
    %scan3A_4 = arith.constant 1 : i32
    scf.for %scan3A_13 = %scan3A_1 to %scan3A_3 step %scan3A_4  : i32 {
      %mul3A_14 = arith.constant 40 : i32
      %mul3A_15 = arith.muli %scan3A_13, %mul3A_14 : i32
      "tpu.region"() ({
        %run_scoped3A = tpu.sem_alloc : memref<!tpu.dma_semaphore, #tpu.memory_space<semaphore_mem>>
        %dma_start3A_77 = arith.constant 0 : i32
        %dma_start3A_78 = tpu.memref_slice %arg3[%arg0, %arg1, %mul3A_15, %dma_start3A_77] : memref<2x16x160x128xi32, #tpu.memory_space<hbm>> -> memref<1x1x40x128xi32, #tpu.memory_space<hbm>>
        %dma_start3A_79 = tpu.memref_squeeze %dma_start3A_78 : memref<1x1x40x128xi32, #tpu.memory_space<hbm>> -> memref<40x128xi32, #tpu.memory_space<hbm>>
        %dma_start3A_80 = arith.constant 0 : i32
        %dma_start3A_81 = tpu.memref_slice %arg3[%arg0, %arg1, %mul3A_15, %dma_start3A_80] : memref<2x16x160x128xi32, #tpu.memory_space<hbm>> -> memref<1x1x40x128xi32, #tpu.memory_space<hbm>>
        %dma_start3A_82 = tpu.memref_squeeze %dma_start3A_81 : memref<1x1x40x128xi32, #tpu.memory_space<hbm>> -> memref<40x128xi32, #tpu.memory_space<hbm>>
        tpu.enqueue_dma source(%dma_start3A_82 : memref<40x128xi32, #tpu.memory_space<hbm>>) target(%arg8 : memref<40x128xi32, #tpu.memory_space<vmem>>) target_semaphore(%run_scoped3A : memref<!tpu.dma_semaphore, #tpu.memory_space<semaphore_mem>>)
        %dma_wait3A_83 = arith.constant 0 : i32
        %dma_wait3A_84 = tpu.memref_slice %arg3[%arg0, %arg1, %mul3A_15, %dma_wait3A_83] : memref<2x16x160x128xi32, #tpu.memory_space<hbm>> -> memref<1x1x40x128xi32, #tpu.memory_space<hbm>>
        %dma_wait3A_85 = tpu.memref_squeeze %dma_wait3A_84 : memref<1x1x40x128xi32, #tpu.memory_space<hbm>> -> memref<40x128xi32, #tpu.memory_space<hbm>>
        %dma_wait3A_86 = arith.constant 0 : i32
        %dma_wait3A_87 = tpu.memref_slice %arg3[%arg0, %arg1, %mul3A_15, %dma_wait3A_86] : memref<2x16x160x128xi32, #tpu.memory_space<hbm>> -> memref<1x1x40x128xi32, #tpu.memory_space<hbm>>
        %dma_wait3A_88 = tpu.memref_squeeze %dma_wait3A_87 : memref<1x1x40x128xi32, #tpu.memory_space<hbm>> -> memref<40x128xi32, #tpu.memory_space<hbm>>
        tpu.wait_dma2 semaphore(%run_scoped3A : memref<!tpu.dma_semaphore, #tpu.memory_space<semaphore_mem>>) src(%dma_wait3A_88 : memref<40x128xi32, #tpu.memory_space<hbm>>) dst(%arg8 : memref<40x128xi32, #tpu.memory_space<vmem>>)
        tpu.yield
      }) : () -> ()
      %mul3A_16 = arith.constant 40 : i32
      %mul3A_17 = arith.muli %scan3A_13, %mul3A_16 : i32
      "tpu.region"() ({
        %run_scoped3A = tpu.sem_alloc : memref<!tpu.dma_semaphore, #tpu.memory_space<semaphore_mem>>
        %dma_start3A_77 = arith.constant 0 : i32
        %dma_start3A_78 = tpu.memref_slice %arg2[%arg0, %arg1, %mul3A_17, %dma_start3A_77] : memref<2x16x160x128xi32, #tpu.memory_space<hbm>> -> memref<1x1x40x128xi32, #tpu.memory_space<hbm>>
        %dma_start3A_79 = tpu.memref_squeeze %dma_start3A_78 : memref<1x1x40x128xi32, #tpu.memory_space<hbm>> -> memref<40x128xi32, #tpu.memory_space<hbm>>
        %dma_start3A_80 = arith.constant 0 : i32
        %dma_start3A_81 = tpu.memref_slice %arg2[%arg0, %arg1, %mul3A_17, %dma_start3A_80] : memref<2x16x160x128xi32, #tpu.memory_space<hbm>> -> memref<1x1x40x128xi32, #tpu.memory_space<hbm>>
        %dma_start3A_82 = tpu.memref_squeeze %dma_start3A_81 : memref<1x1x40x128xi32, #tpu.memory_space<hbm>> -> memref<40x128xi32, #tpu.memory_space<hbm>>
        tpu.enqueue_dma source(%dma_start3A_82 : memref<40x128xi32, #tpu.memory_space<hbm>>) target(%arg7 : memref<40x128xi32, #tpu.memory_space<vmem>>) target_semaphore(%run_scoped3A : memref<!tpu.dma_semaphore, #tpu.memory_space<semaphore_mem>>)
        %dma_wait3A_83 = arith.constant 0 : i32
        %dma_wait3A_84 = tpu.memref_slice %arg2[%arg0, %arg1, %mul3A_17, %dma_wait3A_83] : memref<2x16x160x128xi32, #tpu.memory_space<hbm>> -> memref<1x1x40x128xi32, #tpu.memory_space<hbm>>
        %dma_wait3A_85 = tpu.memref_squeeze %dma_wait3A_84 : memref<1x1x40x128xi32, #tpu.memory_space<hbm>> -> memref<40x128xi32, #tpu.memory_space<hbm>>
        %dma_wait3A_86 = arith.constant 0 : i32
        %dma_wait3A_87 = tpu.memref_slice %arg2[%arg0, %arg1, %mul3A_17, %dma_wait3A_86] : memref<2x16x160x128xi32, #tpu.memory_space<hbm>> -> memref<1x1x40x128xi32, #tpu.memory_space<hbm>>
        %dma_wait3A_88 = tpu.memref_squeeze %dma_wait3A_87 : memref<1x1x40x128xi32, #tpu.memory_space<hbm>> -> memref<40x128xi32, #tpu.memory_space<hbm>>
        tpu.wait_dma2 semaphore(%run_scoped3A : memref<!tpu.dma_semaphore, #tpu.memory_space<semaphore_mem>>) src(%dma_wait3A_88 : memref<40x128xi32, #tpu.memory_space<hbm>>) dst(%arg7 : memref<40x128xi32, #tpu.memory_space<vmem>>)
        tpu.yield
      }) : () -> ()
      %dma_start3A = arith.constant 0 : i32
      %dma_start3A_18 = arith.constant 0 : i32
      %dma_start3A_19 = tpu.memref_slice %arg7[%dma_start3A, %dma_start3A_18] : memref<40x128xi32, #tpu.memory_space<vmem>> -> memref<1x128xi32, #tpu.memory_space<vmem>>
      %dma_start3A_20 = tpu.memref_squeeze %dma_start3A_19 : memref<1x128xi32, #tpu.memory_space<vmem>> -> memref<128xi32, #tpu.memory_space<vmem>>
      %dma_start3A_21 = arith.constant 0 : i32
      %dma_start3A_22 = arith.constant 0 : i32
      %dma_start3A_23 = tpu.memref_slice %arg4[%dma_start3A_21, %dma_start3A_22] : memref<20000x128xf32, #tpu.memory_space<hbm>> -> memref<20000x128xf32, #tpu.memory_space<hbm>>
      tpu.enqueue_indirect_dma source(%dma_start3A_23 : memref<20000x128xf32, #tpu.memory_space<hbm>>) target(%arg9 : memref<128x128xf32, #tpu.memory_space<vmem>>) offsets(%dma_start3A_20 : memref<128xi32, #tpu.memory_space<vmem>>) semaphore(%arg12 : memref<!tpu.dma_semaphore, #tpu.memory_space<semaphore_mem>>)
      %scan3A_24 = arith.constant 0 : i32
      %scan3A_25 = arith.constant 19 : i32
      %scan3A_26 = arith.addi %scan3A_24, %scan3A_25 : i32
      %scan3A_27 = arith.constant 1 : i32
      scf.for %scan3A_77 = %scan3A_24 to %scan3A_26 step %scan3A_27  : i32 {
        %mul3A_78 = arith.constant 2 : i32
        %mul3A_79 = arith.muli %mul3A_78, %scan3A_77 : i32
        %add3A_80 = arith.constant 1 : i32
        %add3A_81 = arith.addi %mul3A_79, %add3A_80 : i32
        %dma_wait3A_82 = arith.constant 0 : i32
        %dma_wait3A_83 = tpu.memref_slice %arg7[%mul3A_79, %dma_wait3A_82] : memref<40x128xi32, #tpu.memory_space<vmem>> -> memref<1x128xi32, #tpu.memory_space<vmem>>
        %dma_wait3A_84 = tpu.memref_squeeze %dma_wait3A_83 : memref<1x128xi32, #tpu.memory_space<vmem>> -> memref<128xi32, #tpu.memory_space<vmem>>
        %dma_wait3A_85 = arith.constant 0 : i32
        %dma_wait3A_86 = arith.constant 0 : i32
        %dma_wait3A_87 = tpu.memref_slice %arg4[%dma_wait3A_85, %dma_wait3A_86] : memref<20000x128xf32, #tpu.memory_space<hbm>> -> memref<20000x128xf32, #tpu.memory_space<hbm>>
        tpu.wait_indirect_dma semaphore(%arg12 : memref<!tpu.dma_semaphore, #tpu.memory_space<semaphore_mem>>) src(%dma_wait3A_87 : memref<20000x128xf32, #tpu.memory_space<hbm>>) dst(%arg9 : memref<128x128xf32, #tpu.memory_space<vmem>>)
        %dma_start3A_88 = arith.constant 0 : i32
        %dma_start3A_89 = tpu.memref_slice %arg7[%add3A_81, %dma_start3A_88] : memref<40x128xi32, #tpu.memory_space<vmem>> -> memref<1x128xi32, #tpu.memory_space<vmem>>
        %dma_start3A_90 = tpu.memref_squeeze %dma_start3A_89 : memref<1x128xi32, #tpu.memory_space<vmem>> -> memref<128xi32, #tpu.memory_space<vmem>>
        %dma_start3A_91 = arith.constant 0 : i32
        %dma_start3A_92 = arith.constant 0 : i32
        %dma_start3A_93 = tpu.memref_slice %arg4[%dma_start3A_91, %dma_start3A_92] : memref<20000x128xf32, #tpu.memory_space<hbm>> -> memref<20000x128xf32, #tpu.memory_space<hbm>>
        tpu.enqueue_indirect_dma source(%dma_start3A_93 : memref<20000x128xf32, #tpu.memory_space<hbm>>) target(%arg10 : memref<128x128xf32, #tpu.memory_space<vmem>>) offsets(%dma_start3A_90 : memref<128xi32, #tpu.memory_space<vmem>>) semaphore(%arg13 : memref<!tpu.dma_semaphore, #tpu.memory_space<semaphore_mem>>)
        %dma_start3A_94 = arith.constant 0 : i32
        %dma_start3A_95 = tpu.memref_slice %arg8[%mul3A_79, %dma_start3A_94] : memref<40x128xi32, #tpu.memory_space<vmem>> -> memref<1x128xi32, #tpu.memory_space<vmem>>
        %dma_start3A_96 = tpu.memref_squeeze %dma_start3A_95 : memref<1x128xi32, #tpu.memory_space<vmem>> -> memref<128xi32, #tpu.memory_space<vmem>>
        %dma_start3A_97 = arith.constant 0 : i32
        %dma_start3A_98 = arith.constant 0 : i32
        %dma_start3A_99 = tpu.memref_slice %arg11[%dma_start3A_97, %dma_start3A_98] : memref<10112x128xf32, #tpu.memory_space<vmem_shared>> -> memref<10112x128xf32, #tpu.memory_space<vmem_shared>>
        tpu.enqueue_indirect_dma source(%arg9 : memref<128x128xf32, #tpu.memory_space<vmem>>) target(%dma_start3A_99 : memref<10112x128xf32, #tpu.memory_space<vmem_shared>>) offsets(%dma_start3A_96 : memref<128xi32, #tpu.memory_space<vmem>>) semaphore(%arg14 : memref<!tpu.dma_semaphore, #tpu.memory_space<semaphore_mem>>) {add = true}
        %dma_wait3A_100 = arith.constant 0 : i32
        %dma_wait3A_101 = tpu.memref_slice %arg7[%add3A_81, %dma_wait3A_100] : memref<40x128xi32, #tpu.memory_space<vmem>> -> memref<1x128xi32, #tpu.memory_space<vmem>>
        %dma_wait3A_102 = tpu.memref_squeeze %dma_wait3A_101 : memref<1x128xi32, #tpu.memory_space<vmem>> -> memref<128xi32, #tpu.memory_space<vmem>>
        %dma_wait3A_103 = arith.constant 0 : i32
        %dma_wait3A_104 = arith.constant 0 : i32
        %dma_wait3A_105 = tpu.memref_slice %arg4[%dma_wait3A_103, %dma_wait3A_104] : memref<20000x128xf32, #tpu.memory_space<hbm>> -> memref<20000x128xf32, #tpu.memory_space<hbm>>
        tpu.wait_indirect_dma semaphore(%arg13 : memref<!tpu.dma_semaphore, #tpu.memory_space<semaphore_mem>>) src(%dma_wait3A_105 : memref<20000x128xf32, #tpu.memory_space<hbm>>) dst(%arg10 : memref<128x128xf32, #tpu.memory_space<vmem>>)
        %dma_wait3A_106 = arith.constant 0 : i32
        %dma_wait3A_107 = tpu.memref_slice %arg8[%mul3A_79, %dma_wait3A_106] : memref<40x128xi32, #tpu.memory_space<vmem>> -> memref<1x128xi32, #tpu.memory_space<vmem>>
        %dma_wait3A_108 = tpu.memref_squeeze %dma_wait3A_107 : memref<1x128xi32, #tpu.memory_space<vmem>> -> memref<128xi32, #tpu.memory_space<vmem>>
        %dma_wait3A_109 = arith.constant 0 : i32
        %dma_wait3A_110 = arith.constant 0 : i32
        %dma_wait3A_111 = tpu.memref_slice %arg11[%dma_wait3A_109, %dma_wait3A_110] : memref<10112x128xf32, #tpu.memory_space<vmem_shared>> -> memref<10112x128xf32, #tpu.memory_space<vmem_shared>>
        tpu.wait_indirect_dma semaphore(%arg14 : memref<!tpu.dma_semaphore, #tpu.memory_space<semaphore_mem>>) src(%arg9 : memref<128x128xf32, #tpu.memory_space<vmem>>) dst(%dma_wait3A_111 : memref<10112x128xf32, #tpu.memory_space<vmem_shared>>)
        %add3A_112 = arith.constant 1 : i32
        %add3A_113 = arith.addi %add3A_81, %add3A_112 : i32
        %dma_start3A_114 = arith.constant 0 : i32
        %dma_start3A_115 = tpu.memref_slice %arg7[%add3A_113, %dma_start3A_114] : memref<40x128xi32, #tpu.memory_space<vmem>> -> memref<1x128xi32, #tpu.memory_space<vmem>>
        %dma_start3A_116 = tpu.memref_squeeze %dma_start3A_115 : memref<1x128xi32, #tpu.memory_space<vmem>> -> memref<128xi32, #tpu.memory_space<vmem>>
        %dma_start3A_117 = arith.constant 0 : i32
        %dma_start3A_118 = arith.constant 0 : i32
        %dma_start3A_119 = tpu.memref_slice %arg4[%dma_start3A_117, %dma_start3A_118] : memref<20000x128xf32, #tpu.memory_space<hbm>> -> memref<20000x128xf32, #tpu.memory_space<hbm>>
        tpu.enqueue_indirect_dma source(%dma_start3A_119 : memref<20000x128xf32, #tpu.memory_space<hbm>>) target(%arg9 : memref<128x128xf32, #tpu.memory_space<vmem>>) offsets(%dma_start3A_116 : memref<128xi32, #tpu.memory_space<vmem>>) semaphore(%arg12 : memref<!tpu.dma_semaphore, #tpu.memory_space<semaphore_mem>>)
        %dma_start3A_120 = arith.constant 0 : i32
        %dma_start3A_121 = tpu.memref_slice %arg8[%add3A_81, %dma_start3A_120] : memref<40x128xi32, #tpu.memory_space<vmem>> -> memref<1x128xi32, #tpu.memory_space<vmem>>
        %dma_start3A_122 = tpu.memref_squeeze %dma_start3A_121 : memref<1x128xi32, #tpu.memory_space<vmem>> -> memref<128xi32, #tpu.memory_space<vmem>>
        %dma_start3A_123 = arith.constant 0 : i32
        %dma_start3A_124 = arith.constant 0 : i32
        %dma_start3A_125 = tpu.memref_slice %arg11[%dma_start3A_123, %dma_start3A_124] : memref<10112x128xf32, #tpu.memory_space<vmem_shared>> -> memref<10112x128xf32, #tpu.memory_space<vmem_shared>>
        tpu.enqueue_indirect_dma source(%arg10 : memref<128x128xf32, #tpu.memory_space<vmem>>) target(%dma_start3A_125 : memref<10112x128xf32, #tpu.memory_space<vmem_shared>>) offsets(%dma_start3A_122 : memref<128xi32, #tpu.memory_space<vmem>>) semaphore(%arg15 : memref<!tpu.dma_semaphore, #tpu.memory_space<semaphore_mem>>) {add = true}
        %dma_wait3A_126 = arith.constant 0 : i32
        %dma_wait3A_127 = tpu.memref_slice %arg8[%add3A_81, %dma_wait3A_126] : memref<40x128xi32, #tpu.memory_space<vmem>> -> memref<1x128xi32, #tpu.memory_space<vmem>>
        %dma_wait3A_128 = tpu.memref_squeeze %dma_wait3A_127 : memref<1x128xi32, #tpu.memory_space<vmem>> -> memref<128xi32, #tpu.memory_space<vmem>>
        %dma_wait3A_129 = arith.constant 0 : i32
        %dma_wait3A_130 = arith.constant 0 : i32
        %dma_wait3A_131 = tpu.memref_slice %arg11[%dma_wait3A_129, %dma_wait3A_130] : memref<10112x128xf32, #tpu.memory_space<vmem_shared>> -> memref<10112x128xf32, #tpu.memory_space<vmem_shared>>
        tpu.wait_indirect_dma semaphore(%arg15 : memref<!tpu.dma_semaphore, #tpu.memory_space<semaphore_mem>>) src(%arg10 : memref<128x128xf32, #tpu.memory_space<vmem>>) dst(%dma_wait3A_131 : memref<10112x128xf32, #tpu.memory_space<vmem_shared>>)
      }
      %scan3A_28 = arith.constant 19 : i32
      %dma_wait3A = arith.constant 38 : i32
      %dma_wait3A_29 = arith.constant 0 : i32
      %dma_wait3A_30 = tpu.memref_slice %arg7[%dma_wait3A, %dma_wait3A_29] : memref<40x128xi32, #tpu.memory_space<vmem>> -> memref<1x128xi32, #tpu.memory_space<vmem>>
      %dma_wait3A_31 = tpu.memref_squeeze %dma_wait3A_30 : memref<1x128xi32, #tpu.memory_space<vmem>> -> memref<128xi32, #tpu.memory_space<vmem>>
      %dma_wait3A_32 = arith.constant 0 : i32
      %dma_wait3A_33 = arith.constant 0 : i32
      %dma_wait3A_34 = tpu.memref_slice %arg4[%dma_wait3A_32, %dma_wait3A_33] : memref<20000x128xf32, #tpu.memory_space<hbm>> -> memref<20000x128xf32, #tpu.memory_space<hbm>>
      tpu.wait_indirect_dma semaphore(%arg12 : memref<!tpu.dma_semaphore, #tpu.memory_space<semaphore_mem>>) src(%dma_wait3A_34 : memref<20000x128xf32, #tpu.memory_space<hbm>>) dst(%arg9 : memref<128x128xf32, #tpu.memory_space<vmem>>)
      %dma_start3A_35 = arith.constant 39 : i32
      %dma_start3A_36 = arith.constant 0 : i32
      %dma_start3A_37 = tpu.memref_slice %arg7[%dma_start3A_35, %dma_start3A_36] : memref<40x128xi32, #tpu.memory_space<vmem>> -> memref<1x128xi32, #tpu.memory_space<vmem>>
      %dma_start3A_38 = tpu.memref_squeeze %dma_start3A_37 : memref<1x128xi32, #tpu.memory_space<vmem>> -> memref<128xi32, #tpu.memory_space<vmem>>
      %dma_start3A_39 = arith.constant 0 : i32
      %dma_start3A_40 = arith.constant 0 : i32
      %dma_start3A_41 = tpu.memref_slice %arg4[%dma_start3A_39, %dma_start3A_40] : memref<20000x128xf32, #tpu.memory_space<hbm>> -> memref<20000x128xf32, #tpu.memory_space<hbm>>
      tpu.enqueue_indirect_dma source(%dma_start3A_41 : memref<20000x128xf32, #tpu.memory_space<hbm>>) target(%arg10 : memref<128x128xf32, #tpu.memory_space<vmem>>) offsets(%dma_start3A_38 : memref<128xi32, #tpu.memory_space<vmem>>) semaphore(%arg13 : memref<!tpu.dma_semaphore, #tpu.memory_space<semaphore_mem>>)
      %dma_start3A_42 = arith.constant 38 : i32
      %dma_start3A_43 = arith.constant 0 : i32
      %dma_start3A_44 = tpu.memref_slice %arg8[%dma_start3A_42, %dma_start3A_43] : memref<40x128xi32, #tpu.memory_space<vmem>> -> memref<1x128xi32, #tpu.memory_space<vmem>>
      %dma_start3A_45 = tpu.memref_squeeze %dma_start3A_44 : memref<1x128xi32, #tpu.memory_space<vmem>> -> memref<128xi32, #tpu.memory_space<vmem>>
      %dma_start3A_46 = arith.constant 0 : i32
      %dma_start3A_47 = arith.constant 0 : i32
      %dma_start3A_48 = tpu.memref_slice %arg11[%dma_start3A_46, %dma_start3A_47] : memref<10112x128xf32, #tpu.memory_space<vmem_shared>> -> memref<10112x128xf32, #tpu.memory_space<vmem_shared>>
      tpu.enqueue_indirect_dma source(%arg9 : memref<128x128xf32, #tpu.memory_space<vmem>>) target(%dma_start3A_48 : memref<10112x128xf32, #tpu.memory_space<vmem_shared>>) offsets(%dma_start3A_45 : memref<128xi32, #tpu.memory_space<vmem>>) semaphore(%arg14 : memref<!tpu.dma_semaphore, #tpu.memory_space<semaphore_mem>>) {add = true}
      %dma_wait3A_49 = arith.constant 39 : i32
      %dma_wait3A_50 = arith.constant 0 : i32
      %dma_wait3A_51 = tpu.memref_slice %arg7[%dma_wait3A_49, %dma_wait3A_50] : memref<40x128xi32, #tpu.memory_space<vmem>> -> memref<1x128xi32, #tpu.memory_space<vmem>>
      %dma_wait3A_52 = tpu.memref_squeeze %dma_wait3A_51 : memref<1x128xi32, #tpu.memory_space<vmem>> -> memref<128xi32, #tpu.memory_space<vmem>>
      %dma_wait3A_53 = arith.constant 0 : i32
      %dma_wait3A_54 = arith.constant 0 : i32
      %dma_wait3A_55 = tpu.memref_slice %arg4[%dma_wait3A_53, %dma_wait3A_54] : memref<20000x128xf32, #tpu.memory_space<hbm>> -> memref<20000x128xf32, #tpu.memory_space<hbm>>
      tpu.wait_indirect_dma semaphore(%arg13 : memref<!tpu.dma_semaphore, #tpu.memory_space<semaphore_mem>>) src(%dma_wait3A_55 : memref<20000x128xf32, #tpu.memory_space<hbm>>) dst(%arg10 : memref<128x128xf32, #tpu.memory_space<vmem>>)
      %dma_wait3A_56 = arith.constant 38 : i32
      %dma_wait3A_57 = arith.constant 0 : i32
      %dma_wait3A_58 = tpu.memref_slice %arg8[%dma_wait3A_56, %dma_wait3A_57] : memref<40x128xi32, #tpu.memory_space<vmem>> -> memref<1x128xi32, #tpu.memory_space<vmem>>
      %dma_wait3A_59 = tpu.memref_squeeze %dma_wait3A_58 : memref<1x128xi32, #tpu.memory_space<vmem>> -> memref<128xi32, #tpu.memory_space<vmem>>
      %dma_wait3A_60 = arith.constant 0 : i32
      %dma_wait3A_61 = arith.constant 0 : i32
      %dma_wait3A_62 = tpu.memref_slice %arg11[%dma_wait3A_60, %dma_wait3A_61] : memref<10112x128xf32, #tpu.memory_space<vmem_shared>> -> memref<10112x128xf32, #tpu.memory_space<vmem_shared>>
      tpu.wait_indirect_dma semaphore(%arg14 : memref<!tpu.dma_semaphore, #tpu.memory_space<semaphore_mem>>) src(%arg9 : memref<128x128xf32, #tpu.memory_space<vmem>>) dst(%dma_wait3A_62 : memref<10112x128xf32, #tpu.memory_space<vmem_shared>>)
      %dma_start3A_63 = arith.constant 39 : i32
      %dma_start3A_64 = arith.constant 0 : i32
      %dma_start3A_65 = tpu.memref_slice %arg8[%dma_start3A_63, %dma_start3A_64] : memref<40x128xi32, #tpu.memory_space<vmem>> -> memref<1x128xi32, #tpu.memory_space<vmem>>
      %dma_start3A_66 = tpu.memref_squeeze %dma_start3A_65 : memref<1x128xi32, #tpu.memory_space<vmem>> -> memref<128xi32, #tpu.memory_space<vmem>>
      %dma_start3A_67 = arith.constant 0 : i32
      %dma_start3A_68 = arith.constant 0 : i32
      %dma_start3A_69 = tpu.memref_slice %arg11[%dma_start3A_67, %dma_start3A_68] : memref<10112x128xf32, #tpu.memory_space<vmem_shared>> -> memref<10112x128xf32, #tpu.memory_space<vmem_shared>>
      tpu.enqueue_indirect_dma source(%arg10 : memref<128x128xf32, #tpu.memory_space<vmem>>) target(%dma_start3A_69 : memref<10112x128xf32, #tpu.memory_space<vmem_shared>>) offsets(%dma_start3A_66 : memref<128xi32, #tpu.memory_space<vmem>>) semaphore(%arg15 : memref<!tpu.dma_semaphore, #tpu.memory_space<semaphore_mem>>) {add = true}
      %dma_wait3A_70 = arith.constant 39 : i32
      %dma_wait3A_71 = arith.constant 0 : i32
      %dma_wait3A_72 = tpu.memref_slice %arg8[%dma_wait3A_70, %dma_wait3A_71] : memref<40x128xi32, #tpu.memory_space<vmem>> -> memref<1x128xi32, #tpu.memory_space<vmem>>
      %dma_wait3A_73 = tpu.memref_squeeze %dma_wait3A_72 : memref<1x128xi32, #tpu.memory_space<vmem>> -> memref<128xi32, #tpu.memory_space<vmem>>
      %dma_wait3A_74 = arith.constant 0 : i32
      %dma_wait3A_75 = arith.constant 0 : i32
      %dma_wait3A_76 = tpu.memref_slice %arg11[%dma_wait3A_74, %dma_wait3A_75] : memref<10112x128xf32, #tpu.memory_space<vmem_shared>> -> memref<10112x128xf32, #tpu.memory_space<vmem_shared>>
      tpu.wait_indirect_dma semaphore(%arg15 : memref<!tpu.dma_semaphore, #tpu.memory_space<semaphore_mem>>) src(%arg10 : memref<128x128xf32, #tpu.memory_space<vmem>>) dst(%dma_wait3A_76 : memref<10112x128xf32, #tpu.memory_space<vmem_shared>>)
    }
    %scan3A_5 = arith.constant 4 : i32
    %barrier3A_6 = arith.constant 0 : index
    tpu.barrier barrier_id(%barrier3A_6)
    %mul3A_7 = arith.constant 632 : i32
    %mul3A_8 = arith.muli %arg1, %mul3A_7 : i32
    %mul3A_9 = arith.constant 10400 : i32
    %mul3A_10 = arith.muli %arg0, %mul3A_9 : i32
    %mul3A_11 = arith.constant 632 : i32
    %mul3A_12 = arith.muli %arg1, %mul3A_11 : i32
    %add3A = arith.addi %mul3A_10, %mul3A_12 : i32
    "tpu.region"() ({
      %run_scoped3A = tpu.sem_alloc : memref<!tpu.dma_semaphore, #tpu.memory_space<semaphore_mem>>
      %dma_start3A = arith.constant 0 : i32
      %dma_start3A_13 = tpu.memref_slice %arg6[%add3A, %dma_start3A] : memref<20800x128xf32, #tpu.memory_space<hbm>> -> memref<632x128xf32, #tpu.memory_space<hbm>>
      %dma_start3A_14 = arith.constant 0 : i32
      %dma_start3A_15 = tpu.memref_slice %arg11[%mul3A_8, %dma_start3A_14] : memref<10112x128xf32, #tpu.memory_space<vmem_shared>> -> memref<632x128xf32, #tpu.memory_space<vmem_shared>>
      tpu.enqueue_dma source(%dma_start3A_15 : memref<632x128xf32, #tpu.memory_space<vmem_shared>>) target(%dma_start3A_13 : memref<632x128xf32, #tpu.memory_space<hbm>>) target_semaphore(%run_scoped3A : memref<!tpu.dma_semaphore, #tpu.memory_space<semaphore_mem>>)
      %dma_wait3A = arith.constant 0 : i32
      %dma_wait3A_16 = tpu.memref_slice %arg6[%add3A, %dma_wait3A] : memref<20800x128xf32, #tpu.memory_space<hbm>> -> memref<632x128xf32, #tpu.memory_space<hbm>>
      %dma_wait3A_17 = arith.constant 0 : i32
      %dma_wait3A_18 = tpu.memref_slice %arg11[%mul3A_8, %dma_wait3A_17] : memref<10112x128xf32, #tpu.memory_space<vmem_shared>> -> memref<632x128xf32, #tpu.memory_space<vmem_shared>>
      tpu.wait_dma2 semaphore(%run_scoped3A : memref<!tpu.dma_semaphore, #tpu.memory_space<semaphore_mem>>) src(%dma_wait3A_18 : memref<632x128xf32, #tpu.memory_space<vmem_shared>>) dst(%dma_wait3A_16 : memref<632x128xf32, #tpu.memory_space<hbm>>)
      tpu.yield
    }) : () -> ()
    return
  }
}

module attributes {stable_mosaic.version = 14 : i64} {
  func.func @body(%arg0: i32, %arg1: memref<400x128xf32, #tpu.memory_space<vmem>>, %arg2: memref<400x128xf32, #tpu.memory_space<vmem>>, %arg3: memref<400x128xf32, #tpu.memory_space<vmem>>, %arg4: memref<400x128xf32, #tpu.memory_space<vmem>>, %arg5: memref<400x16xf32, #tpu.memory_space<vmem>>) attributes {dimension_semantics = [#tpu.dimension_semantics<arbitrary>], iteration_bounds = array<i64: 25>, scalar_prefetch = 0 : i64, scratch_operands = 0 : i64, tpu.core_type = #tpu.core_type<tc>, window_params = [{transform_indices = @transform_0, window_bounds = array<i64: 400, 128>}, {transform_indices = @transform_1, window_bounds = array<i64: 400, 128>}, {transform_indices = @transform_2, window_bounds = array<i64: 400, 128>}, {transform_indices = @transform_3, window_bounds = array<i64: 400, 128>}, {transform_indices = @transform_4, window_bounds = array<i64: 400, 16>}]} {
    %get3A = arith.constant 0 : index
    %get3A_0 = arith.constant 0 : index
    %get3A_1 = vector.load %arg2[%get3A, %get3A_0] : memref<400x128xf32, #tpu.memory_space<vmem>>, vector<400x1xf32>
    %get3A_2 = arith.constant 0 : index
    %get3A_3 = arith.constant 0 : index
    %get3A_4 = vector.load %arg3[%get3A_2, %get3A_3] : memref<400x128xf32, #tpu.memory_space<vmem>>, vector<400x1xf32>
    %add3A = arith.addf %get3A_1, %get3A_4 : vector<400x1xf32>
    %add3A_5 = arith.constant 1.000000e+00 : f32
    %add3A_6 = vector.broadcast %add3A_5 : f32 to vector<400x1xf32>
    %add3A_7 = arith.addf %add3A, %add3A_6 : vector<400x1xf32>
    %rsqrt3A = math.rsqrt %add3A_7 : vector<400x1xf32>
    %get3A_8 = arith.constant 0 : index
    %get3A_9 = arith.constant 0 : index
    %get3A_10 = vector.load %arg1[%get3A_8, %get3A_9] : memref<400x128xf32, #tpu.memory_space<vmem>>, vector<400x128xf32>
    %mul3A = vector.broadcast %rsqrt3A : vector<400x1xf32> to vector<400x128xf32>
    %mul3A_11 = arith.mulf %get3A_10, %mul3A : vector<400x128xf32>
    %swap3A = arith.constant 0 : index
    %swap3A_12 = arith.constant 0 : index
    %swap3A_13 = vector.load %arg4[%swap3A, %swap3A_12] : memref<400x128xf32, #tpu.memory_space<vmem>>, vector<400x128xf32>
    tpu.vector_store %arg4[%swap3A, %swap3A_12], %mul3A_11 {strides = array<i32>} : memref<400x128xf32, #tpu.memory_space<vmem>>, vector<400x128xf32>,
    %broadcast_in_dim3A = vector.shape_cast %rsqrt3A : vector<400x1xf32> to vector<400x1xf32>
    %broadcast_in_dim3A_14 = vector.broadcast %broadcast_in_dim3A : vector<400x1xf32> to vector<400x16xf32>
    %swap3A_15 = arith.constant 0 : index
    %swap3A_16 = arith.constant 0 : index
    %swap3A_17 = vector.load %arg5[%swap3A_15, %swap3A_16] : memref<400x16xf32, #tpu.memory_space<vmem>>, vector<400x16xf32>
    tpu.vector_store %arg5[%swap3A_15, %swap3A_16], %broadcast_in_dim3A_14 {strides = array<i32>} : memref<400x16xf32, #tpu.memory_space<vmem>>, vector<400x16xf32>,
    return
  }
  func.func @transform_0(%arg0: i32) -> (i32, i32) {
    %c0_i32 = arith.constant 0 : i32
    %c0_i32_0 = arith.constant 0 : i32
    return %arg0, %c0_i32 : i32, i32
  }
  func.func @transform_1(%arg0: i32) -> (i32, i32) {
    %c0_i32 = arith.constant 0 : i32
    %c0_i32_0 = arith.constant 0 : i32
    return %arg0, %c0_i32 : i32, i32
  }
  func.func @transform_2(%arg0: i32) -> (i32, i32) {
    %add3A = arith.constant 26 : i32
    %add3A_0 = arith.addi %add3A, %arg0 : i32
    %c0_i32 = arith.constant 0 : i32
    %c0_i32_1 = arith.constant 0 : i32
    return %add3A_0, %c0_i32 : i32, i32
  }
  func.func @transform_3(%arg0: i32) -> (i32, i32) {
    %c0_i32 = arith.constant 0 : i32
    %c0_i32_0 = arith.constant 0 : i32
    return %arg0, %c0_i32 : i32, i32
  }
  func.func @transform_4(%arg0: i32) -> (i32, i32) {
    %c0_i32 = arith.constant 0 : i32
    %c0_i32_0 = arith.constant 0 : i32
    return %arg0, %c0_i32 : i32, i32
  }
}

module attributes {stable_mosaic.version = 14 : i64} {
  func.func @body(%arg0: i32, %arg1: i32, %arg2: memref<400x128xf32, #tpu.memory_space<vmem>>, %arg3: memref<400x128xf32, #tpu.memory_space<vmem>>, %arg4: memref<400x128xf32, #tpu.memory_space<vmem>>, %arg5: memref<400x16xf32, #tpu.memory_space<vmem>>, %arg6: memref<128x128xf32, #tpu.memory_space<vmem>>, %arg7: memref<8x128xf32, #tpu.memory_space<vmem>>, %arg8: memref<400x128xf32, #tpu.memory_space<vmem>>) attributes {dimension_semantics = [#tpu.dimension_semantics<arbitrary>, #tpu.dimension_semantics<arbitrary>], iteration_bounds = array<i64: 25, 2>, scalar_prefetch = 0 : i64, scratch_operands = 0 : i64, tpu.core_type = #tpu.core_type<tc>, window_params = [{transform_indices = @transform_0, window_bounds = array<i64: 400, 128>}, {transform_indices = @transform_1, window_bounds = array<i64: 400, 128>}, {transform_indices = @transform_2, window_bounds = array<i64: 400, 128>}, {transform_indices = @transform_3, window_bounds = array<i64: 400, 16>}, {transform_indices = @transform_4, window_bounds = array<i64: 128, 128>}, {transform_indices = @transform_5, window_bounds = array<i64: 8, 128>}, {transform_indices = @transform_6, window_bounds = array<i64: 400, 128>}]} {
    %get3A = arith.constant 0 : index
    %get3A_0 = arith.constant 0 : index
    %get3A_1 = vector.load %arg5[%get3A, %get3A_0] : memref<400x16xf32, #tpu.memory_space<vmem>>, vector<400x1xf32>
    %get3A_2 = arith.constant 0 : index
    %get3A_3 = arith.constant 0 : index
    %get3A_4 = vector.load %arg2[%get3A_2, %get3A_3] : memref<400x128xf32, #tpu.memory_space<vmem>>, vector<400x128xf32>
    %get3A_5 = arith.constant 0 : index
    %get3A_6 = arith.constant 0 : index
    %get3A_7 = vector.load %arg3[%get3A_5, %get3A_6] : memref<400x128xf32, #tpu.memory_space<vmem>>, vector<400x128xf32>
    %add3A = arith.addf %get3A_4, %get3A_7 : vector<400x128xf32>
    %get3A_8 = arith.constant 0 : index
    %get3A_9 = arith.constant 0 : index
    %get3A_10 = vector.load %arg4[%get3A_8, %get3A_9] : memref<400x128xf32, #tpu.memory_space<vmem>>, vector<400x128xf32>
    %add3A_11 = arith.addf %add3A, %get3A_10 : vector<400x128xf32>
    %mul3A = vector.broadcast %get3A_1 : vector<400x1xf32> to vector<400x128xf32>
    %mul3A_12 = arith.mulf %add3A_11, %mul3A : vector<400x128xf32>
    %get3A_13 = arith.constant 0 : index
    %get3A_14 = arith.constant 0 : index
    %get3A_15 = vector.load %arg6[%get3A_13, %get3A_14] : memref<128x128xf32, #tpu.memory_space<vmem>>, vector<128x128xf32>
    %dot_general3A = arith.constant dense<0.000000e+00> : vector<400x128xf32>
    %dot_general3A_16 = tpu.matmul %mul3A_12, %get3A_15, %dot_general3A {dimension_numbers = #tpu.dot_dimension_numbers<[1], [0], [0], [1], [0, 0, 1, 1], [], []>, transpose_lhs_hint = false} : vector<400x128xf32>, vector<128x128xf32>, vector<400x128xf32> -> vector<400x128xf32>
    %get3A_17 = arith.constant 0 : index
    %get3A_18 = arith.constant 0 : index
    %get3A_19 = vector.load %arg7[%get3A_17, %get3A_18] : memref<8x128xf32, #tpu.memory_space<vmem>>, vector<1x128xf32>
    %add3A_20 = vector.broadcast %get3A_19 : vector<1x128xf32> to vector<400x128xf32>
    %add3A_21 = arith.addf %dot_general3A_16, %add3A_20 : vector<400x128xf32>
    %max3A = arith.constant 0.000000e+00 : f32
    %max3A_22 = vector.broadcast %max3A : f32 to vector<400x128xf32>
    %max3A_23 = arith.maximumf %add3A_21, %max3A_22 : vector<400x128xf32>
    %mul3A_24 = vector.broadcast %get3A_1 : vector<400x1xf32> to vector<400x128xf32>
    %mul3A_25 = arith.mulf %max3A_23, %mul3A_24 : vector<400x128xf32>
    %swap3A = arith.constant 0 : index
    %swap3A_26 = arith.constant 0 : index
    %swap3A_27 = vector.load %arg8[%swap3A, %swap3A_26] : memref<400x128xf32, #tpu.memory_space<vmem>>, vector<400x128xf32>
    tpu.vector_store %arg8[%swap3A, %swap3A_26], %mul3A_25 {strides = array<i32>} : memref<400x128xf32, #tpu.memory_space<vmem>>, vector<400x128xf32>,
    return
  }
  func.func @transform_0(%arg0: i32, %arg1: i32) -> (i32, i32) {
    %c0_i32 = arith.constant 0 : i32
    %c0_i32_0 = arith.constant 0 : i32
    return %arg0, %c0_i32 : i32, i32
  }
  func.func @transform_1(%arg0: i32, %arg1: i32) -> (i32, i32) {
    %add3A = arith.constant 26 : i32
    %add3A_0 = arith.addi %add3A, %arg0 : i32
    %c0_i32 = arith.constant 0 : i32
    %c0_i32_1 = arith.constant 0 : i32
    return %add3A_0, %c0_i32 : i32, i32
  }
  func.func @transform_2(%arg0: i32, %arg1: i32) -> (i32, i32) {
    %c0_i32 = arith.constant 0 : i32
    %c0_i32_0 = arith.constant 0 : i32
    return %arg0, %c0_i32 : i32, i32
  }
  func.func @transform_3(%arg0: i32, %arg1: i32) -> (i32, i32) {
    %c0_i32 = arith.constant 0 : i32
    %c0_i32_0 = arith.constant 0 : i32
    return %arg0, %c0_i32 : i32, i32
  }
  func.func @transform_4(%arg0: i32, %arg1: i32) -> (i32, i32) {
    %c0_i32 = arith.constant 0 : i32
    %c0_i32_0 = arith.constant 0 : i32
    return %c0_i32, %arg1 : i32, i32
  }
  func.func @transform_5(%arg0: i32, %arg1: i32) -> (i32, i32) {
    %c0_i32 = arith.constant 0 : i32
    %c0_i32_0 = arith.constant 0 : i32
    return %c0_i32, %arg1 : i32, i32
  }
  func.func @transform_6(%arg0: i32, %arg1: i32) -> (i32, i32) {
    %mul3A = arith.constant 25 : i32
    %mul3A_0 = arith.muli %arg1, %mul3A : i32
    %add3A = arith.addi %mul3A_0, %arg0 : i32
    %c0_i32 = arith.constant 0 : i32
    %c0_i32_1 = arith.constant 0 : i32
    return %add3A, %c0_i32 : i32, i32
  }
}

module attributes {stable_mosaic.version = 14 : i64} {
  func.func @body(%arg0: i32, %arg1: i32, %arg2: memref<400x128xf32, #tpu.memory_space<vmem>>, %arg3: memref<400x128xf32, #tpu.memory_space<vmem>>, %arg4: memref<400x128xf32, #tpu.memory_space<vmem>>, %arg5: memref<400x128xf32, #tpu.memory_space<vmem>>, %arg6: memref<400x16xf32, #tpu.memory_space<vmem>>, %arg7: memref<256x128xf32, #tpu.memory_space<vmem>>, %arg8: memref<8x128xf32, #tpu.memory_space<vmem>>, %arg9: memref<400x128xf32, #tpu.memory_space<vmem>>) attributes {dimension_semantics = [#tpu.dimension_semantics<arbitrary>, #tpu.dimension_semantics<arbitrary>], iteration_bounds = array<i64: 25, 2>, scalar_prefetch = 0 : i64, scratch_operands = 0 : i64, tpu.core_type = #tpu.core_type<tc>, window_params = [{transform_indices = @transform_0, window_bounds = array<i64: 400, 128>}, {transform_indices = @transform_1, window_bounds = array<i64: 400, 128>}, {transform_indices = @transform_2, window_bounds = array<i64: 400, 128>}, {transform_indices = @transform_3, window_bounds = array<i64: 400, 128>}, {transform_indices = @transform_4, window_bounds = array<i64: 400, 16>}, {transform_indices = @transform_5, window_bounds = array<i64: 256, 128>}, {transform_indices = @transform_6, window_bounds = array<i64: 8, 128>}, {transform_indices = @transform_7, window_bounds = array<i64: 400, 128>}]} {
    %get3A = arith.constant 0 : index
    %get3A_0 = arith.constant 0 : index
    %get3A_1 = vector.load %arg6[%get3A, %get3A_0] : memref<400x16xf32, #tpu.memory_space<vmem>>, vector<400x1xf32>
    %get3A_2 = arith.constant 0 : index
    %get3A_3 = arith.constant 0 : index
    %get3A_4 = vector.load %arg2[%get3A_2, %get3A_3] : memref<400x128xf32, #tpu.memory_space<vmem>>, vector<400x128xf32>
    %get3A_5 = arith.constant 0 : index
    %get3A_6 = arith.constant 0 : index
    %get3A_7 = vector.load %arg4[%get3A_5, %get3A_6] : memref<400x128xf32, #tpu.memory_space<vmem>>, vector<400x128xf32>
    %add3A = arith.addf %get3A_4, %get3A_7 : vector<400x128xf32>
    %get3A_8 = arith.constant 0 : index
    %get3A_9 = arith.constant 0 : index
    %get3A_10 = vector.load %arg3[%get3A_8, %get3A_9] : memref<400x128xf32, #tpu.memory_space<vmem>>, vector<400x128xf32>
    %get3A_11 = arith.constant 0 : index
    %get3A_12 = arith.constant 0 : index
    %get3A_13 = vector.load %arg5[%get3A_11, %get3A_12] : memref<400x128xf32, #tpu.memory_space<vmem>>, vector<400x128xf32>
    %add3A_14 = arith.addf %get3A_10, %get3A_13 : vector<400x128xf32>
    %concatenate3A = tpu.concatenate %add3A, %add3A_14 in 1 : vector<400x128xf32>, vector<400x128xf32> -> vector<400x256xf32>
    %mul3A = vector.broadcast %get3A_1 : vector<400x1xf32> to vector<400x256xf32>
    %mul3A_15 = arith.mulf %concatenate3A, %mul3A : vector<400x256xf32>
    %get3A_16 = arith.constant 0 : index
    %get3A_17 = arith.constant 0 : index
    %get3A_18 = vector.load %arg7[%get3A_16, %get3A_17] : memref<256x128xf32, #tpu.memory_space<vmem>>, vector<256x128xf32>
    %dot_general3A = arith.constant dense<0.000000e+00> : vector<400x128xf32>
    %dot_general3A_19 = tpu.matmul %mul3A_15, %get3A_18, %dot_general3A {dimension_numbers = #tpu.dot_dimension_numbers<[1], [0], [0], [1], [0, 0, 1, 1], [], []>, transpose_lhs_hint = false} : vector<400x256xf32>, vector<256x128xf32>, vector<400x128xf32> -> vector<400x128xf32>
    %get3A_20 = arith.constant 0 : index
    %get3A_21 = arith.constant 0 : index
    %get3A_22 = vector.load %arg8[%get3A_20, %get3A_21] : memref<8x128xf32, #tpu.memory_space<vmem>>, vector<1x128xf32>
    %add3A_23 = vector.broadcast %get3A_22 : vector<1x128xf32> to vector<400x128xf32>
    %add3A_24 = arith.addf %dot_general3A_19, %add3A_23 : vector<400x128xf32>
    %max3A = arith.constant 0.000000e+00 : f32
    %max3A_25 = vector.broadcast %max3A : f32 to vector<400x128xf32>
    %max3A_26 = arith.maximumf %add3A_24, %max3A_25 : vector<400x128xf32>
    %mul3A_27 = vector.broadcast %get3A_1 : vector<400x1xf32> to vector<400x128xf32>
    %mul3A_28 = arith.mulf %max3A_26, %mul3A_27 : vector<400x128xf32>
    %swap3A = arith.constant 0 : index
    %swap3A_29 = arith.constant 0 : index
    %swap3A_30 = vector.load %arg9[%swap3A, %swap3A_29] : memref<400x128xf32, #tpu.memory_space<vmem>>, vector<400x128xf32>
    tpu.vector_store %arg9[%swap3A, %swap3A_29], %mul3A_28 {strides = array<i32>} : memref<400x128xf32, #tpu.memory_space<vmem>>, vector<400x128xf32>,
    return
  }
  func.func @transform_0(%arg0: i32, %arg1: i32) -> (i32, i32) {
    %c0_i32 = arith.constant 0 : i32
    %c0_i32_0 = arith.constant 0 : i32
    return %arg0, %c0_i32 : i32, i32
  }
  func.func @transform_1(%arg0: i32, %arg1: i32) -> (i32, i32) {
    %add3A = arith.constant 26 : i32
    %add3A_0 = arith.addi %add3A, %arg0 : i32
    %c0_i32 = arith.constant 0 : i32
    %c0_i32_1 = arith.constant 0 : i32
    return %add3A_0, %c0_i32 : i32, i32
  }
  func.func @transform_2(%arg0: i32, %arg1: i32) -> (i32, i32) {
    %c0_i32 = arith.constant 0 : i32
    %c0_i32_0 = arith.constant 0 : i32
    return %arg0, %c0_i32 : i32, i32
  }
  func.func @transform_3(%arg0: i32, %arg1: i32) -> (i32, i32) {
    %add3A = arith.constant 25 : i32
    %add3A_0 = arith.addi %add3A, %arg0 : i32
    %c0_i32 = arith.constant 0 : i32
    %c0_i32_1 = arith.constant 0 : i32
    return %add3A_0, %c0_i32 : i32, i32
  }
  func.func @transform_4(%arg0: i32, %arg1: i32) -> (i32, i32) {
    %c0_i32 = arith.constant 0 : i32
    %c0_i32_0 = arith.constant 0 : i32
    return %arg0, %c0_i32 : i32, i32
  }
  func.func @transform_5(%arg0: i32, %arg1: i32) -> (i32, i32) {
    %c0_i32 = arith.constant 0 : i32
    %c0_i32_0 = arith.constant 0 : i32
    return %c0_i32, %arg1 : i32, i32
  }
  func.func @transform_6(%arg0: i32, %arg1: i32) -> (i32, i32) {
    %c0_i32 = arith.constant 0 : i32
    %c0_i32_0 = arith.constant 0 : i32
    return %c0_i32, %arg1 : i32, i32
  }
  func.func @transform_7(%arg0: i32, %arg1: i32) -> (i32, i32) {
    %mul3A = arith.constant 25 : i32
    %mul3A_0 = arith.muli %arg1, %mul3A : i32
    %add3A = arith.addi %mul3A_0, %arg0 : i32
    %c0_i32 = arith.constant 0 : i32
    %c0_i32_1 = arith.constant 0 : i32
    return %add3A, %c0_i32 : i32, i32
  }
}

module attributes {stable_mosaic.version = 14 : i64} {
  func.func @body(%arg0: i32, %arg1: memref<400x128xf32, #tpu.memory_space<vmem>>, %arg2: memref<400x128xf32, #tpu.memory_space<vmem>>, %arg3: memref<400x128xf32, #tpu.memory_space<vmem>>, %arg4: memref<400x128xf32, #tpu.memory_space<vmem>>, %arg5: memref<400x16xf32, #tpu.memory_space<vmem>>, %arg6: memref<400x16xi32, #tpu.memory_space<vmem>>, %arg7: memref<256x256xf32, #tpu.memory_space<vmem>>, %arg8: memref<8x256xf32, #tpu.memory_space<vmem>>, %arg9: memref<256x128xf32, #tpu.memory_space<vmem>>, %arg10: memref<8x128xf32, #tpu.memory_space<vmem>>, %arg11: memref<128x128xf32, #tpu.memory_space<vmem>>, %arg12: memref<128x256xf32, #tpu.memory_space<vmem>>, %arg13: memref<128x16xf32, #tpu.memory_space<vmem>>) attributes {dimension_semantics = [#tpu.dimension_semantics<arbitrary>], iteration_bounds = array<i64: 25>, scalar_prefetch = 0 : i64, scratch_operands = 0 : i64, tpu.core_type = #tpu.core_type<tc>, window_params = [{transform_indices = @transform_0, window_bounds = array<i64: 400, 128>}, {transform_indices = @transform_1, window_bounds = array<i64: 400, 128>}, {transform_indices = @transform_2, window_bounds = array<i64: 400, 128>}, {transform_indices = @transform_3, window_bounds = array<i64: 400, 128>}, {transform_indices = @transform_4, window_bounds = array<i64: 400, 16>}, {transform_indices = @transform_5, window_bounds = array<i64: 400, 16>}, {pipeline_mode = #tpu.pipeline_mode<synchronous>, transform_indices = @transform_6, window_bounds = array<i64: 256, 256>}, {pipeline_mode = #tpu.pipeline_mode<synchronous>, transform_indices = @transform_7, window_bounds = array<i64: 8, 256>}, {pipeline_mode = #tpu.pipeline_mode<synchronous>, transform_indices = @transform_8, window_bounds = array<i64: 256, 128>}, {pipeline_mode = #tpu.pipeline_mode<synchronous>, transform_indices = @transform_9, window_bounds = array<i64: 8, 128>}, {pipeline_mode = #tpu.pipeline_mode<synchronous>, transform_indices = @transform_10, window_bounds = array<i64: 128, 128>}, {pipeline_mode = #tpu.pipeline_mode<synchronous>, transform_indices = @transform_11, window_bounds = array<i64: 128, 256>}, {pipeline_mode = #tpu.pipeline_mode<synchronous>, transform_indices = @transform_12, window_bounds = array<i64: 128, 16>}]} {
    %get3A = arith.constant 0 : index
    %get3A_0 = arith.constant 0 : index
    %get3A_1 = vector.load %arg5[%get3A, %get3A_0] : memref<400x16xf32, #tpu.memory_space<vmem>>, vector<400x1xf32>
    %get3A_2 = arith.constant 0 : index
    %get3A_3 = arith.constant 0 : index
    %get3A_4 = vector.load %arg1[%get3A_2, %get3A_3] : memref<400x128xf32, #tpu.memory_space<vmem>>, vector<400x128xf32>
    %get3A_5 = arith.constant 0 : index
    %get3A_6 = arith.constant 0 : index
    %get3A_7 = vector.load %arg3[%get3A_5, %get3A_6] : memref<400x128xf32, #tpu.memory_space<vmem>>, vector<400x128xf32>
    %add3A = arith.addf %get3A_4, %get3A_7 : vector<400x128xf32>
    %get3A_8 = arith.constant 0 : index
    %get3A_9 = arith.constant 0 : index
    %get3A_10 = vector.load %arg2[%get3A_8, %get3A_9] : memref<400x128xf32, #tpu.memory_space<vmem>>, vector<400x128xf32>
    %get3A_11 = arith.constant 0 : index
    %get3A_12 = arith.constant 0 : index
    %get3A_13 = vector.load %arg4[%get3A_11, %get3A_12] : memref<400x128xf32, #tpu.memory_space<vmem>>, vector<400x128xf32>
    %add3A_14 = arith.addf %get3A_10, %get3A_13 : vector<400x128xf32>
    %concatenate3A = tpu.concatenate %add3A, %add3A_14 in 1 : vector<400x128xf32>, vector<400x128xf32> -> vector<400x256xf32>
    %mul3A = vector.broadcast %get3A_1 : vector<400x1xf32> to vector<400x256xf32>
    %mul3A_15 = arith.mulf %concatenate3A, %mul3A : vector<400x256xf32>
    %get3A_16 = arith.constant 0 : index
    %get3A_17 = arith.constant 0 : index
    %get3A_18 = vector.load %arg7[%get3A_16, %get3A_17] : memref<256x256xf32, #tpu.memory_space<vmem>>, vector<256x256xf32>
    %dot_general3A = arith.constant dense<0.000000e+00> : vector<400x256xf32>
    %dot_general3A_19 = tpu.matmul %mul3A_15, %get3A_18, %dot_general3A {dimension_numbers = #tpu.dot_dimension_numbers<[1], [0], [0], [1], [0, 0, 1, 1], [], []>, transpose_lhs_hint = false} : vector<400x256xf32>, vector<256x256xf32>, vector<400x256xf32> -> vector<400x256xf32>
    %get3A_20 = arith.constant 0 : index
    %get3A_21 = arith.constant 0 : index
    %get3A_22 = vector.load %arg8[%get3A_20, %get3A_21] : memref<8x256xf32, #tpu.memory_space<vmem>>, vector<1x256xf32>
    %add3A_23 = vector.broadcast %get3A_22 : vector<1x256xf32> to vector<400x256xf32>
    %add3A_24 = arith.addf %dot_general3A_19, %add3A_23 : vector<400x256xf32>
    %get3A_25 = arith.constant 0 : index
    %get3A_26 = arith.constant 0 : index
    %get3A_27 = vector.load %arg6[%get3A_25, %get3A_26] : memref<400x16xi32, #tpu.memory_space<vmem>>, vector<400x1xi32>
    %iota3A = tpu.iota {dimensions = array<i32: 1>} : vector<400x128xi32>
    %eq3A = vector.broadcast %get3A_27 : vector<400x1xi32> to vector<400x128xi32>
    %eq3A_28 = arith.cmpi eq, %eq3A, %iota3A : vector<400x128xi32>
    %convert_element_type3A = arith.extui %eq3A_28 : vector<400x128xi1> to vector<400x128xi32>
    %convert_element_type3A_29 = arith.sitofp %convert_element_type3A : vector<400x128xi32> to vector<400x128xf32>
    %dot_general3A_30 = arith.constant dense<0.000000e+00> : vector<128x256xf32>
    %dot_general3A_31 = tpu.matmul %convert_element_type3A_29, %add3A_24, %dot_general3A_30 {dimension_numbers = #tpu.dot_dimension_numbers<[0], [0], [1], [1], [0, 1, 1, 1], [], []>, transpose_lhs_hint = false} : vector<400x128xf32>, vector<400x256xf32>, vector<128x256xf32> -> vector<128x256xf32>
    %broadcast_in_dim3A = arith.constant 1.000000e+00 : f32
    %broadcast_in_dim3A_32 = vector.broadcast %broadcast_in_dim3A : f32 to vector<400x16xf32>
    %dot_general3A_33 = arith.constant dense<0.000000e+00> : vector<128x16xf32>
    %dot_general3A_34 = tpu.matmul %convert_element_type3A_29, %broadcast_in_dim3A_32, %dot_general3A_33 {dimension_numbers = #tpu.dot_dimension_numbers<[0], [0], [1], [1], [0, 1, 1, 1], [], []>, transpose_lhs_hint = false} : vector<400x128xf32>, vector<400x16xf32>, vector<128x16xf32> -> vector<128x16xf32>
    %eq3A_35 = arith.constant 0 : i32
    %eq3A_36 = arith.cmpi eq, %arg0, %eq3A_35 : i32
    %convert_element_type3A_37 = arith.extui %eq3A_36 : i1 to i32
    %cond3A = arith.constant 0 : i32
    %cond3A_38 = arith.cmpi ne, %convert_element_type3A_37, %cond3A : i32
    scf.if %cond3A_38 {
      %swap3A = arith.constant 0 : index
      %swap3A_48 = arith.constant 0 : index
      %swap3A_49 = vector.load %arg12[%swap3A, %swap3A_48] : memref<128x256xf32, #tpu.memory_space<vmem>>, vector<128x256xf32>
      tpu.vector_store %arg12[%swap3A, %swap3A_48], %dot_general3A_31 {strides = array<i32>} : memref<128x256xf32, #tpu.memory_space<vmem>>, vector<128x256xf32>,
      %swap3A_50 = arith.constant 0 : index
      %swap3A_51 = arith.constant 0 : index
      %swap3A_52 = vector.load %arg13[%swap3A_50, %swap3A_51] : memref<128x16xf32, #tpu.memory_space<vmem>>, vector<128x16xf32>
      tpu.vector_store %arg13[%swap3A_50, %swap3A_51], %dot_general3A_34 {strides = array<i32>} : memref<128x16xf32, #tpu.memory_space<vmem>>, vector<128x16xf32>,
    } else {
    }
    %gt3A = arith.constant 0 : i32
    %gt3A_39 = arith.cmpi sgt, %arg0, %gt3A : i32
    %convert_element_type3A_40 = arith.extui %gt3A_39 : i1 to i32
    %cond3A_41 = arith.constant 0 : i32
    %cond3A_42 = arith.cmpi ne, %convert_element_type3A_40, %cond3A_41 : i32
    scf.if %cond3A_42 {
      %get3A_48 = arith.constant 0 : index
      %get3A_49 = arith.constant 0 : index
      %get3A_50 = vector.load %arg12[%get3A_48, %get3A_49] : memref<128x256xf32, #tpu.memory_space<vmem>>, vector<128x256xf32>
      %add3A_51 = arith.addf %get3A_50, %dot_general3A_31 : vector<128x256xf32>
      %swap3A = arith.constant 0 : index
      %swap3A_52 = arith.constant 0 : index
      %swap3A_53 = vector.load %arg12[%swap3A, %swap3A_52] : memref<128x256xf32, #tpu.memory_space<vmem>>, vector<128x256xf32>
      tpu.vector_store %arg12[%swap3A, %swap3A_52], %add3A_51 {strides = array<i32>} : memref<128x256xf32, #tpu.memory_space<vmem>>, vector<128x256xf32>,
      %get3A_54 = arith.constant 0 : index
      %get3A_55 = arith.constant 0 : index
      %get3A_56 = vector.load %arg13[%get3A_54, %get3A_55] : memref<128x16xf32, #tpu.memory_space<vmem>>, vector<128x16xf32>
      %add3A_57 = arith.addf %get3A_56, %dot_general3A_34 : vector<128x16xf32>
      %swap3A_58 = arith.constant 0 : index
      %swap3A_59 = arith.constant 0 : index
      %swap3A_60 = vector.load %arg13[%swap3A_58, %swap3A_59] : memref<128x16xf32, #tpu.memory_space<vmem>>, vector<128x16xf32>
      tpu.vector_store %arg13[%swap3A_58, %swap3A_59], %add3A_57 {strides = array<i32>} : memref<128x16xf32, #tpu.memory_space<vmem>>, vector<128x16xf32>,
    } else {
    }
    %eq3A_43 = arith.constant 24 : i32
    %eq3A_44 = arith.cmpi eq, %arg0, %eq3A_43 : i32
    %convert_element_type3A_45 = arith.extui %eq3A_44 : i1 to i32
    %cond3A_46 = arith.constant 0 : i32
    %cond3A_47 = arith.cmpi ne, %convert_element_type3A_45, %cond3A_46 : i32
    scf.if %cond3A_47 {
      %get3A_48 = arith.constant 0 : index
      %get3A_49 = arith.constant 0 : index
      %get3A_50 = vector.load %arg13[%get3A_48, %get3A_49] : memref<128x16xf32, #tpu.memory_space<vmem>>, vector<128x1xf32>
      %max3A = arith.constant 1.000000e+00 : f32
      %max3A_51 = vector.broadcast %max3A : f32 to vector<128x1xf32>
      %max3A_52 = arith.maximumf %get3A_50, %max3A_51 : vector<128x1xf32>
      %get3A_53 = arith.constant 0 : index
      %get3A_54 = arith.constant 0 : index
      %get3A_55 = vector.load %arg12[%get3A_53, %get3A_54] : memref<128x256xf32, #tpu.memory_space<vmem>>, vector<128x256xf32>
      %div3A = vector.broadcast %max3A_52 : vector<128x1xf32> to vector<128x256xf32>
      %div3A_56 = arith.divf %get3A_55, %div3A : vector<128x256xf32>
      %get3A_57 = arith.constant 0 : index
      %get3A_58 = arith.constant 0 : index
      %get3A_59 = vector.load %arg9[%get3A_57, %get3A_58] : memref<256x128xf32, #tpu.memory_space<vmem>>, vector<256x128xf32>
      %dot_general3A_60 = arith.constant dense<0.000000e+00> : vector<128x128xf32>
      %dot_general3A_61 = tpu.matmul %div3A_56, %get3A_59, %dot_general3A_60 {dimension_numbers = #tpu.dot_dimension_numbers<[1], [0], [0], [1], [0, 0, 1, 1], [], []>, transpose_lhs_hint = false} : vector<128x256xf32>, vector<256x128xf32>, vector<128x128xf32> -> vector<128x128xf32>
      %get3A_62 = arith.constant 0 : index
      %get3A_63 = arith.constant 0 : index
      %get3A_64 = vector.load %arg10[%get3A_62, %get3A_63] : memref<8x128xf32, #tpu.memory_space<vmem>>, vector<1x128xf32>
      %add3A_65 = vector.broadcast %get3A_64 : vector<1x128xf32> to vector<128x128xf32>
      %add3A_66 = arith.addf %dot_general3A_61, %add3A_65 : vector<128x128xf32>
      %swap3A = arith.constant 0 : index
      %swap3A_67 = arith.constant 0 : index
      %swap3A_68 = vector.load %arg11[%swap3A, %swap3A_67] : memref<128x128xf32, #tpu.memory_space<vmem>>, vector<128x128xf32>
      tpu.vector_store %arg11[%swap3A, %swap3A_67], %add3A_66 {strides = array<i32>} : memref<128x128xf32, #tpu.memory_space<vmem>>, vector<128x128xf32>,
    } else {
    }
    return
  }
  func.func @transform_0(%arg0: i32) -> (i32, i32) {
    %c0_i32 = arith.constant 0 : i32
    %c0_i32_0 = arith.constant 0 : i32
    return %arg0, %c0_i32 : i32, i32
  }
  func.func @transform_1(%arg0: i32) -> (i32, i32) {
    %add3A = arith.constant 26 : i32
    %add3A_0 = arith.addi %add3A, %arg0 : i32
    %c0_i32 = arith.constant 0 : i32
    %c0_i32_1 = arith.constant 0 : i32
    return %add3A_0, %c0_i32 : i32, i32
  }
  func.func @transform_2(%arg0: i32) -> (i32, i32) {
    %c0_i32 = arith.constant 0 : i32
    %c0_i32_0 = arith.constant 0 : i32
    return %arg0, %c0_i32 : i32, i32
  }
  func.func @transform_3(%arg0: i32) -> (i32, i32) {
    %add3A = arith.constant 25 : i32
    %add3A_0 = arith.addi %add3A, %arg0 : i32
    %c0_i32 = arith.constant 0 : i32
    %c0_i32_1 = arith.constant 0 : i32
    return %add3A_0, %c0_i32 : i32, i32
  }
  func.func @transform_4(%arg0: i32) -> (i32, i32) {
    %c0_i32 = arith.constant 0 : i32
    %c0_i32_0 = arith.constant 0 : i32
    return %arg0, %c0_i32 : i32, i32
  }
  func.func @transform_5(%arg0: i32) -> (i32, i32) {
    %c0_i32 = arith.constant 0 : i32
    %c0_i32_0 = arith.constant 0 : i32
    return %arg0, %c0_i32 : i32, i32
  }
  func.func @transform_6(%arg0: i32) -> (i32, i32) {
    %c0_i32 = arith.constant 0 : i32
    %c0_i32_0 = arith.constant 0 : i32
    %c0_i32_1 = arith.constant 0 : i32
    return %c0_i32, %c0_i32_0 : i32, i32
  }
  func.func @transform_7(%arg0: i32) -> (i32, i32) {
    %c0_i32 = arith.constant 0 : i32
    %c0_i32_0 = arith.constant 0 : i32
    %c0_i32_1 = arith.constant 0 : i32
    return %c0_i32, %c0_i32_0 : i32, i32
  }
  func.func @transform_8(%arg0: i32) -> (i32, i32) {
    %c0_i32 = arith.constant 0 : i32
    %c0_i32_0 = arith.constant 0 : i32
    %c0_i32_1 = arith.constant 0 : i32
    return %c0_i32, %c0_i32_0 : i32, i32
  }
  func.func @transform_9(%arg0: i32) -> (i32, i32) {
    %c0_i32 = arith.constant 0 : i32
    %c0_i32_0 = arith.constant 0 : i32
    %c0_i32_1 = arith.constant 0 : i32
    return %c0_i32, %c0_i32_0 : i32, i32
  }
  func.func @transform_10(%arg0: i32) -> (i32, i32) {
    %c0_i32 = arith.constant 0 : i32
    %c0_i32_0 = arith.constant 0 : i32
    %c0_i32_1 = arith.constant 0 : i32
    return %c0_i32, %c0_i32_0 : i32, i32
  }
  func.func @transform_11(%arg0: i32) -> (i32, i32) {
    %c0_i32 = arith.constant 0 : i32
    %c0_i32_0 = arith.constant 0 : i32
    %c0_i32_1 = arith.constant 0 : i32
    return %c0_i32, %c0_i32_0 : i32, i32
  }
  func.func @transform_12(%arg0: i32) -> (i32, i32) {
    %c0_i32 = arith.constant 0 : i32
    %c0_i32_0 = arith.constant 0 : i32
    %c0_i32_1 = arith.constant 0 : i32
    return %c0_i32, %c0_i32_0 : i32, i32
  }
}

</mosaic_0001>

<sc_bundles>
// kernel: kernel.10.cloned.1.call-start
scs
__scs_entry_jumppad:
0x0: {  	(pc) =	sbr.rel $0x88, $3  }
0x1: {  	(tag) =	ssettag $0x0;
	lr =	simm.s32 $0x1  }
0x2: {  	[smem:$0x3F96] =	sst lr;
	_ =	strace $0xD0000000  }
0x3: {  	_ = 	snop  }
0x4: {  	_ = 	snop  }
0x5: {  	_ = 	snop  }
0x6: {  	_ = 	snop  }
0x7: {  	_ = 	snop  }
__scs_overlays_trampoline_lowered:
0x8: {  	[smem:$0x3FA5] =	sst s0  }
0x9: {  	[smem:$0x3FA6] =	sst s1  }
0xa: {  	[smem:$0x3FA7] =	sst s2  }
0xb: {  	[smem:$0x3FA8] =	sst s3  }
0xc: {  	[smem:$0x3FA9] =	sst s4  }
0xd: {  	[smem:$0x3FAA] =	sst s5  }
0xe: {  	[smem:$0x3FAB] =	sst s6  }
0xf: {  	[smem:$0x3FAC] =	sst s7  }
0x10: {  	[smem:$0x3FAD] =	sst s8  }
0x11: {  	[smem:$0x3FAE] =	sst s9;
	s0 =	simm.s32 @!p0 $0x0  }
0x12: {  	s1 =	sld [smem:$0x3F94];
	s0 =	simm.s32 @p0 $0x1  }
0x13: {  	[smem:$0x3FAF] =	sst s0;
	s0 =	simm.s32 @!p1 $0x0  }
0x14: {  	s2 =	sld [smem:$0x3F93];
	s0 =	simm.s32 @p1 $0x1  }
0x15: {  	[smem:$0x3FB0] =	sst s0;
	s0 =	simm.s32 @!p2 $0x0  }
0x16: {  	s3 =	sld [smem:$0x3FDB];
	s0 =	simm.s32 @p2 $0x1  }
0x17: {  	s4 =	simm.s32 $0x1BF5;
	[smem:$0x3FB2] =	sst s0  }
0x18: {  	s0 =	sld [smem:$0x3F95];
	_ =	swait.ge [sflag:s4], $0x0  }
0x19: {  	s7 =	sld [smem:$0x3F96]  }
0x1a: {  	s8 =	sadd.s32 $0xFFFFE003, lr  }
0x1b: {  	s9 =	sadd.s32 $0xFFFFFEF7, lr;
	s5 =	simm.s32 $0xFFFFFFFF;
	p2 =	slt.u32 s8, $0xFFFFF086  }
0x1c: {  	p1 =	slt.u32 s9, $0xF7A;
	s5 =	simm.s32 @!p2 $0x0  }
0x1d: {  	s5 =	simm.s32 @p1 $0x1;
	p0 =	seq.s32 s7, s2  }
0x1e: {  	s7 =	smul.u32 @!p0 $0xF7A, s2;
	p2 =	seq.s32 @!p0 s5, $0x0  }
0x1f: {  	s9 =	smul.u32 $0xF7A, s1;
	s8 =	simm.s32 @!p0 $0x1BF5;
	p2 =	por !p2, p0  }
0x20: {  	[sflag:s8] =	ssyncset.s32 @!p0 $0xFFFFF086;
	s6 =	sadd.s32 @!p0 s3, s7;
	s7 =	simm.s32 @!p0 $0x108  }
0x21: {  	s3 =	sadd.s32 s3, s9;
	s6 =	sadd.s32 @!p0 $0x88, s6;
	s7 =	simm.s32 @p2 $0x1082  }
0x22: {  	[simem:s7], [sflag:s8] =	dma.local @!p0 [hbm:s6], $0xF7A  }
0x23: {  	s9 =	sor.u32 $0xD0000000, s2;
	s6 =	simm.s32 $0x108;
	_ =	swait.ge @!p0 [sflag:s8], $0x0  }
0x24: {  	s3 =	sadd.s32 $0x88, s3;
	s6 =	simm.s32 @!p1 $0x1082;
	[sflag:s4] =	ssyncset.s32 $0xFFFFF086  }
0x25: {  	[simem:s6], [sflag:s4] =	dma.local [hbm:s3], $0xF7A  }
0x26: {  	[smem:$0x3F96] =	sst s1;
	(tag) =	ssettag s2;
	_ =	strace s9  }
0x27: {  	s1 =	sld [smem:$0x3FA6]  }
0x28: {  	s2 =	sld [smem:$0x3FA7]  }
0x29: {  	s4 =	sld [smem:$0x3FA9]  }
0x2a: {  	p0 =	seq.s32 s5, $0x0;
	s5 =	sld [smem:$0x3FAA]  }
0x2b: {  	s6 =	sld [smem:$0x3FAB]  }
0x2c: {  	s7 =	sld [smem:$0x3FAC]  }
0x2d: {  	s3 =	simm.s32 $0x108;
	s8 =	sld [smem:$0x3FAD]  }
0x2e: {  	s3 =	simm.s32 @!p0 $0x1082;
	s9 =	sld [smem:$0x3FAE]  }
0x2f: {  	lr =	sadd.s32 s0, s3;
	s0 =	sld [smem:$0x3FA5]  }
0x30: {  	s3 =	sld [smem:$0x3FA8]  }
0x31: {  	[smem:$0x3FB1] =	sst s10  }
0x32: {  	s10 =	sld [smem:$0x3FAF];
	_ =	sdelay $0x3  }
0x33: {  	p0 =	seq.s32 s10, $0x1;
	s10 =	sld [smem:$0x3FB1];
	_ =	sdelay $0x3  }
0x34: {  	[smem:$0x3FB1] =	sst s10  }
0x35: {  	s10 =	sld [smem:$0x3FB0];
	_ =	sdelay $0x3  }
0x36: {  	p1 =	seq.s32 s10, $0x1;
	s10 =	sld [smem:$0x3FB1];
	_ =	sdelay $0x3  }
0x37: {  	[smem:$0x3FB1] =	sst s10  }
0x38: {  	s10 =	sld [smem:$0x3FB2]  }
0x39: {  	_ = 	snop;
	(pc) =	sbr.ind lr, $3  }
0x3a: {  	_ = 	snop  }
0x3b: {  	_ = 	snop  }
0x3c: {  	p2 =	seq.s32 s10, $0x1;
	s10 =	sld [smem:$0x3FB1]  }
0x3d: {  	_ =	shalt  }
0x3e: {  	_ =	shalt  }
0x3f: {  	_ =	shalt  }
0x40: {  	_ =	shalt  }
0x41: {  	_ =	shalt  }
0x42: {  	_ =	shalt  }
0x43: {  	_ =	shalt  }
0x44: {  	_ =	shalt  }
0x45: {  	_ =	shalt  }
0x46: {  	_ =	shalt  }
0x47: {  	_ =	shalt  }
0x48: {  	_ =	shalt  }
0x49: {  	_ =	shalt  }
0x4a: {  	_ =	shalt  }
0x4b: {  	_ =	shalt  }
0x4c: {  	_ =	shalt  }
0x4d: {  	_ =	shalt  }
0x4e: {  	_ =	shalt  }
0x4f: {  	_ =	shalt  }
0x50: {  	_ =	shalt  }
0x51: {  	_ =	shalt  }
0x52: {  	_ =	shalt  }
0x53: {  	_ =	shalt  }
0x54: {  	_ =	shalt  }
0x55: {  	_ =	shalt  }
0x56: {  	_ =	shalt  }
0x57: {  	_ =	shalt  }
0x58: {  	_ =	shalt  }
0x59: {  	_ =	shalt  }
0x5a: {  	_ =	shalt  }
0x5b: {  	_ =	shalt  }
0x5c: {  	_ =	shalt  }
0x5d: {  	_ =	shalt  }
0x5e: {  	_ =	shalt  }
0x5f: {  	_ =	shalt  }
0x60: {  	_ =	shalt  }
0x61: {  	_ =	shalt  }
0x62: {  	_ =	shalt  }
0x63: {  	_ =	shalt  }
0x64: {  	_ =	shalt  }
0x65: {  	_ =	shalt  }
0x66: {  	_ =	shalt  }
0x67: {  	_ =	shalt  }
0x68: {  	_ =	shalt  }
0x69: {  	_ =	shalt  }
0x6a: {  	_ =	shalt  }
0x6b: {  	_ =	shalt  }
0x6c: {  	_ =	shalt  }
0x6d: {  	_ =	shalt  }
0x6e: {  	_ =	shalt  }
0x6f: {  	_ =	shalt  }
0x70: {  	_ =	shalt  }
0x71: {  	_ =	shalt  }
0x72: {  	_ =	shalt  }
0x73: {  	_ =	shalt  }
0x74: {  	_ =	shalt  }
0x75: {  	_ =	shalt  }
0x76: {  	_ =	shalt  }
0x77: {  	_ =	shalt  }
0x78: {  	_ =	shalt  }
0x79: {  	_ =	shalt  }
0x7a: {  	_ =	shalt  }
0x7b: {  	_ =	shalt  }
0x7c: {  	_ =	shalt  }
0x7d: {  	_ =	shalt  }
0x7e: {  	_ =	shalt  }
0x7f: {  	_ =	shalt  }
0x80: {  	_ =	shalt  }
0x81: {  	_ =	shalt  }
0x82: {  	_ =	shalt  }
0x83: {  	_ =	shalt  }
0x84: {  	_ =	shalt  }
0x85: {  	_ =	shalt  }
0x86: {  	_ =	shalt  }
0x87: {  	_ =	shalt  }
.Lfunc_end0:
.L_simem_size_0:
called_computation_lowered:
.L_overlay_start_0:
0x88: {  	s2 =	sld [smem:$0x3FD9]  }
0x89: {  	s3 =	sld [smem:$0x3FFE];
	_ =	sdelay $0x1  }
0x8a: {  	s1 =	srdreg.scid  }
0x8b: {  	s0 =	sand.u32 $0x1, s1  }
0x8c: {  	s16 =	sshll.u32 s0, $0xA;
	s2 =	sadd.s32 s3, s2  }
0x8d: {  	s2 =	sadd.s32 s2, s16  }
0x8e: {  	[smem:$0x3FBD] =	sst s2  }
0x8f: {  	_ = 	snop  }
0x90: {  	(tm) =	ssettm $0x1  }
0x91: {  	s17 =	sld [smem:$0x3FFB];
	_ =	sdelay $0x3  }
0x92: {  	_ =	strace s17  }
0x93: {  	s2 =	sld [smem:$0x3FFC];
	_ =	sdelay $0x3  }
0x94: {  	_ =	strace s2  }
0x95: {  	s2 =	sld [smem:$0x3FFD];
	_ =	sdelay $0x3  }
0x96: {  	_ =	strace s2  }
0x97: {  	_ =	strace $0x8FFFFFFF  }
0x98: {  	s18 =	sld [smem:$0x3FDB];
	_ =	sdelay $0x1  }
0x99: {  	s19 =	simm.s32 $_scs_section_size  }
0x9a: {  	s4 =	simm.s32 $_size__tile_overlayer_lowered;
	s5 =	simm.s32 $_tile_overlayer_lowered  }
0x9b: {  	s22 =	simm.s32 $0x1BFF;
	s21 =	sshll.u32 s5, $0x1;
	s2 =	sadd.s32 s19, s18  }
0x9c: {  	s6 =	simm.s32 $0x0;
	s20 =	sshll.u32 s4, $0x1;
	s4 =	sadd.s32 s21, s2  }
0x9d: {  	[timem:s6], [sflag:s22] =	dma.local [hbm:s4], s20  }
0x9e: {  	_ =	swait.ge [sflag:s22], s20  }
0x9f: {  	s3 =	ssub.s32 $0x0, s20;
	[sflag:s22] =	ssyncset.done $0x0  }
0xa0: {  	[sflag:s22] =	ssyncadd.s32 s3;
	_ =	sdelay $0x1  }
0xa1: {  	s23 =	simm.s32 $0x1B8B  }
0xa2: {  	_ =	swait.ge [sflag:s23], $0x1  }
0xa3: {  	[sflag:s23] =	ssyncset.done $0x0  }
0xa4: {  	s25 =	simm.s32 $0x1B8E;
	s24 =	sld [smem:$0x3FFE];
	[sflag:s23] =	ssyncadd.s32 $0xFFFFFFFF  }
0xa5: {  	s26 =	simm.s32 $execute0_lowered;
	[smem:$0x3FD2] =	sst s25  }
0xa6: {  	s4 =	sshll.u32 s26, $0x1;
	_ =	strace $0x80000046;
	[dreg:$0x1] =	wrdreg $0xFFFFFFFF  }
0xa7: {  	s28 =	simm.s32 $_size_execute0_lowered;
	s2 =	sadd.s32 s2, s4;
	[dreg:$0x0] =	wrdreg $0x0  }
0xa8: {  	s4 =	sshll.u32 s28, $0x1;
	[dreg:$0x2] =	wrdreg s2  }
0xa9: {  	[dreg:$0x3] =	wrdreg s4  }
0xaa: {  	[dreg:$0x4] =	wrdreg $0xC0  }
0xab: {  	_ =	task [dreg:s6], $0x5FFFF  }
0xac: {  	[dreg:$0x1] =	wrdreg $0xFFFFFFFF  }
0xad: {  	[dreg:$0x0] =	wrdreg $0x60  }
0xae: {  	[dreg:$0x2] =	wrdreg s24  }
0xaf: {  	[dreg:$0x3] =	wrdreg $0x68000  }
0xb0: {  	[dreg:$0x4] =	wrdreg $0x9  }
0xb1: {  	_ =	task.clear_ibuf [dreg:s6], $0x5FFFF;
	_ =	strace $0x90000046  }
0xb2: {  	s29 =	simm.s32 $0x9;
	_ =	strace $0x80000048  }
0xb3: {  	_ =	swait.ge [sflag:s29], $0x1  }
0xb4: {  	[sflag:s29] =	ssyncadd.s32 $0xFFFFFFFF  }
0xb5: {  	_ =	strace $0x90000048  }
0xb6: {  	_ =	sfence  }
0xb7: {  	s30 =	sld [smem:$0x0];
	_ =	sdelay $0x2  }
0xb8: {  	s31 =	sshll.u32 s1, $0xD;
	s1 =	sshrl.u32 s1, $0x2  }
0xb9: {  	s3 =	sand.u32 $0x4000, s31;
	s1 =	sadd.s32 s1, s30  }
0xba: {  	s0 =	sor.u32 s3, s0;
	s1 =	sshll.u32 s1, $0x11  }
0xbb: {  	s0 =	sor.u32 s1, s0  }
0xbc: {  	s0 =	sadd.s32 $0x8F2B, s0  }
0xbd: {  	[sflag:s0] =	ssyncadd.remote.s32 $0x1  }
0xbe: {  	_ =	sfence.sel $0xFFFF  }
0xbf: {  	[dreg:$0x0] =	wrdreg $0xFFFFFFFF;
	(pc) =	sbr.abs _section_cstart, $3  }
0xc0: {  	[dreg:$0x1] =	wrdreg $0xFFFFFFFF  }
0xc1: {  	_ =	task.clear_ibuf [dreg:s6], $0x2FFFF;
	_ =	strace $0x9FFFFFFF  }
0xc2: {  	(tm) =	ssettm $0x7FFFFFFF  }
0xc3: {  	_ =	shalt  }
tec
execute0_lowered:
.L_overlay_start_1:
0x0: {  	(tag) =	ssettag $0x1  }
0x1: {  	s0 =	srdreg.scid;
	s6 =	rddreg [dreg:$0x0]  }
0x2: {  	s2 =	rddreg [dreg:$0x1];
	s7 =	sand.u32 $0x1, s0  }
0x3: {  	s0 =	stileid.u32;
	s4 =	smul.u32 $0x28000, s7  }
0x4: {  	s1 =	rddreg [dreg:$0x2];
	s3 =	simm.s32 $0x0;
	s5 =	smul.u32 $0x2800, s0  }
0x5: {  	s13 =	simm.s32 $0x80;
	[smem:$0x7FF] =	sst s3;
	s8 =	smul.u32 $0x2780, s0  }
0x6: {  	s14 =	simm.s32 $0x0;
	_ =	strace $0x80000047;
	s9 =	smul.u32 $0x28A00, s7  }
0x7: {  	s11 =	smul.u32 $0x4F000, s0;
	s7 =	ssub.s32 $0x2, s7;
	s31 =	sshll.u32 s0, $0x6  }
0x8: {  	s28 =	sshrl.u32 s7, $0x1;
	s4 =	sadd.s32 s5, s4;
	s5 =	sadd.s32 $0x17000, s6  }
0x9: {  	s8 =	sadd.s32 s8, s9;
	s29 =	sshrl.u32 s11, $0x2;
	s30 =	ssub.s32 s7, s28  }
0xa: {  	s11 =	simm.s32 $0x1;
	s4 =	sshrl.u32 s4, $0x3;
	s8 =	sadd.s32 s8, s6  }
0xb: {  	s12 =	sadd.s32 s29, s2;
	s9 =	smax.u32 s30, $0x1;
	s10 =	sadd.s32 s4, s6  }
0xc: {  	s4 =	sadd.s32 $0x19800, s6;
	s6 =	sor.u32 $0x1C01, s31;
	s8 =	sadd.s32 $0x1A000, s8  }
0xd: {  	s7 =	sadd.s32 $0xD000, s10;
	s10 =	sshrl.u32 s12, $0x3;
	s12 =	simm.s32 $0x2800  }
.LBB2_1:
0xe: {  	[spmem:s10], [sflag:s6] =	dma.local [hbm:s5], $0x2780  }
0xf: {  	_ =	swait.ge [sflag:s11], $0x2780  }
0x10: {  	[sflag:s11] =	ssyncset.done $0x0  }
0x11: {  	[sflag:s11] =	ssyncadd.s32 $0xFFFFD880  }
0x12: {  	[tilespmem:s3], [sflag:$0x1] =	stream.linear.gather [hbm4b:s7+s3], $0x2800, $0x38;
	[tilespmem:$0x1A400] =	vst v63  }
0x13: {  	_ =	swait.ge [sflag:s11], $0x2800  }
0x14: {  	[sflag:s11] =	ssyncset.done $0x0  }
0x15: {  	[sflag:s11] =	ssyncadd.s32 $0xFFFFD800  }
0x16: {  	[tilespmem:s12], [sflag:$0x1] =	stream.linear.gather [hbm4b:s4+s3], $0x4000, $0x38;
	[tilespmem:$0x1A400] =	vst v63  }
0x17: {  	_ =	swait.ge [sflag:s11], $0x4000  }
0x18: {  	[sflag:s11] =	ssyncset.done $0x0  }
0x19: {  	[sflag:s11] =	ssyncadd.s32 $0xFFFFC000  }
0x1a: {  	s15 =	simm.s32 $0x0;
	[bflag:$0x0] =	sbarrier.arrive $0xFFFF  }
0x1b: {  	[spmem:s2] =	stream.indirect.scatter.add.f32 [tilespmem:s12], [sflag:$0x1], $0x80, s15, s13, $0xb8;
	[tilespmem:$0x1A400] =	vst v63  }
0x1c: {  	_ =	swait.ge [sflag:s11], $0x4000  }
0x1d: {  	s15 =	simm.s32 $0x200;
	[sflag:s11] =	ssyncset.done $0x0  }
.LBB2_2:
0x1e: {  	s16 =	sshra.s32 s15, $0x2;
	[sflag:s11] =	ssyncadd.s32 $0xFFFFC000;
	p0 =	sne.s32 s15, $0x9E00  }
0x1f: {  	[spmem:s2] =	stream.indirect.scatter.add.f32 [tilespmem:s12], [sflag:$0x1], $0x80, s16, s13, $0xb8;
	[tilespmem:$0x1A400] =	vst v63  }
.Ltmp0:
0x20: {  	_ = 	snop;
	(pc) =	sbr.rel @p0 .LBB2_2-.Ltmp0, $4  }
0x21: {  	_ = 	snop  }
0x22: {  	s15 =	sadd.s32 $0x200, s15  }
0x23: {  	_ =	swait.ge [sflag:s11], $0x4000  }
0x24: {  	[sflag:s11] =	ssyncset.done $0x0  }
0x25: {  	s14 =	sadd.s32 $0x1, s14  }
0x26: {  	[sflag:s11] =	ssyncadd.s32 $0xFFFFC000;
	p0 =	sne.s32 s14, s9  }
.Ltmp1:
0x27: {  	[bflag:$0x0] =	sbarrier.arrive $0xFFFF;
	(pc) =	sbr.rel @p0 .LBB2_1-.Ltmp1, $4  }
0x28: {  	[hbm:s8], [sflag:s6] =	dma.local [spmem:s10], $0x2780  }
0x29: {  	_ =	swait.ge [sflag:s11], $0x2780  }
0x2a: {  	[sflag:s11] =	ssyncset.done $0x0  }
0x2b: {  	[sflag:s11] =	ssyncadd.s32 $0xFFFFD880  }
0x2c: {  	_ =	sfence.sel $0x180000  }
0x2d: {  	[bflag:$0x0] =	sbarrier.arrive $0xFFFF  }
0x2e: {  	p0 =	sne.s32 s0, $0x0;
	_ =	strace $0x90000047  }
0x2f: {  	s0 =	sadd.s32 @!p0 $0x100000, s1;
	[bflag:$0x2] =	sbarrier.arrive $0xFFFF  }
0x30: {  	[sflag:s0] =	ssyncadd.tile.s32 @!p0 $0x1;
	_ =	shalt  }
.Lfunc_end2:
_tile_overlayer_lowered:
.L_overlay_start_2:
0x31: {  	(tag) =	ssettag $0x2  }
0x32: {  	s0 =	rddreg [dreg:$0x0];
	s2 =	stileid.u32  }
0x33: {  	s1 =	rddreg [dreg:$0x1];
	p0 =	sne.s32 s2, $0x0  }
0x34: {  	s3 =	rddreg [dreg:$0x2];
	[bflag:$0x3] =	sbarrier.arrive $0xFFFF;
	s2 =	simm.s32 @!p0 $0x1C01  }
0x35: {  	[timem:s3], [sflag:s2] =	dma.local @!p0 [hbm:s0], s1  }
0x36: {  	s0 =	simm.s32 @!p0 $0x1  }
0x37: {  	_ =	swait.ge @!p0 [sflag:s0], s1  }
0x38: {  	s1 =	ssub.s32 @!p0 $0x0, s1;
	[sflag:s0] =	ssyncset.done @!p0 $0x0  }
0x39: {  	[sflag:s0] =	ssyncadd.s32 @!p0 s1  }
0x3a: {  	[bflag:$0x3] =	sbarrier.arrive $0xFFFF  }
0x3b: {  	_ =	shalt  }

// kernel: kernel.13.cloned.1.call-start
scs
__scs_entry_jumppad:
0x0: {  	(pc) =	sbr.rel $0x88, $3  }
0x1: {  	(tag) =	ssettag $0x0;
	lr =	simm.s32 $0x1  }
0x2: {  	[smem:$0x3F96] =	sst lr;
	_ =	strace $0xD0000000  }
0x3: {  	_ = 	snop  }
0x4: {  	_ = 	snop  }
0x5: {  	_ = 	snop  }
0x6: {  	_ = 	snop  }
0x7: {  	_ = 	snop  }
__scs_overlays_trampoline_lowered:
0x8: {  	[smem:$0x3FA5] =	sst s0  }
0x9: {  	[smem:$0x3FA6] =	sst s1  }
0xa: {  	[smem:$0x3FA7] =	sst s2  }
0xb: {  	[smem:$0x3FA8] =	sst s3  }
0xc: {  	[smem:$0x3FA9] =	sst s4  }
0xd: {  	[smem:$0x3FAA] =	sst s5  }
0xe: {  	[smem:$0x3FAB] =	sst s6  }
0xf: {  	[smem:$0x3FAC] =	sst s7  }
0x10: {  	[smem:$0x3FAD] =	sst s8  }
0x11: {  	[smem:$0x3FAE] =	sst s9;
	s0 =	simm.s32 @!p0 $0x0  }
0x12: {  	s1 =	sld [smem:$0x3F94];
	s0 =	simm.s32 @p0 $0x1  }
0x13: {  	[smem:$0x3FAF] =	sst s0;
	s0 =	simm.s32 @!p1 $0x0  }
0x14: {  	s2 =	sld [smem:$0x3F93];
	s0 =	simm.s32 @p1 $0x1  }
0x15: {  	[smem:$0x3FB0] =	sst s0;
	s0 =	simm.s32 @!p2 $0x0  }
0x16: {  	s3 =	sld [smem:$0x3FDB];
	s0 =	simm.s32 @p2 $0x1  }
0x17: {  	s4 =	simm.s32 $0x1BF5;
	[smem:$0x3FB2] =	sst s0  }
0x18: {  	s0 =	sld [smem:$0x3F95];
	_ =	swait.ge [sflag:s4], $0x0  }
0x19: {  	s7 =	sld [smem:$0x3F96]  }
0x1a: {  	s8 =	sadd.s32 $0xFFFFE003, lr  }
0x1b: {  	s9 =	sadd.s32 $0xFFFFFEF7, lr;
	s5 =	simm.s32 $0xFFFFFFFF;
	p2 =	slt.u32 s8, $0xFFFFF086  }
0x1c: {  	p1 =	slt.u32 s9, $0xF7A;
	s5 =	simm.s32 @!p2 $0x0  }
0x1d: {  	s5 =	simm.s32 @p1 $0x1;
	p0 =	seq.s32 s7, s2  }
0x1e: {  	s7 =	smul.u32 @!p0 $0xF7A, s2;
	p2 =	seq.s32 @!p0 s5, $0x0  }
0x1f: {  	s9 =	smul.u32 $0xF7A, s1;
	s8 =	simm.s32 @!p0 $0x1BF5;
	p2 =	por !p2, p0  }
0x20: {  	[sflag:s8] =	ssyncset.s32 @!p0 $0xFFFFF086;
	s6 =	sadd.s32 @!p0 s3, s7;
	s7 =	simm.s32 @!p0 $0x108  }
0x21: {  	s3 =	sadd.s32 s3, s9;
	s6 =	sadd.s32 @!p0 $0x88, s6;
	s7 =	simm.s32 @p2 $0x1082  }
0x22: {  	[simem:s7], [sflag:s8] =	dma.local @!p0 [hbm:s6], $0xF7A  }
0x23: {  	s9 =	sor.u32 $0xD0000000, s2;
	s6 =	simm.s32 $0x108;
	_ =	swait.ge @!p0 [sflag:s8], $0x0  }
0x24: {  	s3 =	sadd.s32 $0x88, s3;
	s6 =	simm.s32 @!p1 $0x1082;
	[sflag:s4] =	ssyncset.s32 $0xFFFFF086  }
0x25: {  	[simem:s6], [sflag:s4] =	dma.local [hbm:s3], $0xF7A  }
0x26: {  	[smem:$0x3F96] =	sst s1;
	(tag) =	ssettag s2;
	_ =	strace s9  }
0x27: {  	s1 =	sld [smem:$0x3FA6]  }
0x28: {  	s2 =	sld [smem:$0x3FA7]  }
0x29: {  	s4 =	sld [smem:$0x3FA9]  }
0x2a: {  	p0 =	seq.s32 s5, $0x0;
	s5 =	sld [smem:$0x3FAA]  }
0x2b: {  	s6 =	sld [smem:$0x3FAB]  }
0x2c: {  	s7 =	sld [smem:$0x3FAC]  }
0x2d: {  	s3 =	simm.s32 $0x108;
	s8 =	sld [smem:$0x3FAD]  }
0x2e: {  	s3 =	simm.s32 @!p0 $0x1082;
	s9 =	sld [smem:$0x3FAE]  }
0x2f: {  	lr =	sadd.s32 s0, s3;
	s0 =	sld [smem:$0x3FA5]  }
0x30: {  	s3 =	sld [smem:$0x3FA8]  }
0x31: {  	[smem:$0x3FB1] =	sst s10  }
0x32: {  	s10 =	sld [smem:$0x3FAF];
	_ =	sdelay $0x3  }
0x33: {  	p0 =	seq.s32 s10, $0x1;
	s10 =	sld [smem:$0x3FB1];
	_ =	sdelay $0x3  }
0x34: {  	[smem:$0x3FB1] =	sst s10  }
0x35: {  	s10 =	sld [smem:$0x3FB0];
	_ =	sdelay $0x3  }
0x36: {  	p1 =	seq.s32 s10, $0x1;
	s10 =	sld [smem:$0x3FB1];
	_ =	sdelay $0x3  }
0x37: {  	[smem:$0x3FB1] =	sst s10  }
0x38: {  	s10 =	sld [smem:$0x3FB2]  }
0x39: {  	_ = 	snop;
	(pc) =	sbr.ind lr, $3  }
0x3a: {  	_ = 	snop  }
0x3b: {  	_ = 	snop  }
0x3c: {  	p2 =	seq.s32 s10, $0x1;
	s10 =	sld [smem:$0x3FB1]  }
0x3d: {  	_ =	shalt  }
0x3e: {  	_ =	shalt  }
0x3f: {  	_ =	shalt  }
0x40: {  	_ =	shalt  }
0x41: {  	_ =	shalt  }
0x42: {  	_ =	shalt  }
0x43: {  	_ =	shalt  }
0x44: {  	_ =	shalt  }
0x45: {  	_ =	shalt  }
0x46: {  	_ =	shalt  }
0x47: {  	_ =	shalt  }
0x48: {  	_ =	shalt  }
0x49: {  	_ =	shalt  }
0x4a: {  	_ =	shalt  }
0x4b: {  	_ =	shalt  }
0x4c: {  	_ =	shalt  }
0x4d: {  	_ =	shalt  }
0x4e: {  	_ =	shalt  }
0x4f: {  	_ =	shalt  }
0x50: {  	_ =	shalt  }
0x51: {  	_ =	shalt  }
0x52: {  	_ =	shalt  }
0x53: {  	_ =	shalt  }
0x54: {  	_ =	shalt  }
0x55: {  	_ =	shalt  }
0x56: {  	_ =	shalt  }
0x57: {  	_ =	shalt  }
0x58: {  	_ =	shalt  }
0x59: {  	_ =	shalt  }
0x5a: {  	_ =	shalt  }
0x5b: {  	_ =	shalt  }
0x5c: {  	_ =	shalt  }
0x5d: {  	_ =	shalt  }
0x5e: {  	_ =	shalt  }
0x5f: {  	_ =	shalt  }
0x60: {  	_ =	shalt  }
0x61: {  	_ =	shalt  }
0x62: {  	_ =	shalt  }
0x63: {  	_ =	shalt  }
0x64: {  	_ =	shalt  }
0x65: {  	_ =	shalt  }
0x66: {  	_ =	shalt  }
0x67: {  	_ =	shalt  }
0x68: {  	_ =	shalt  }
0x69: {  	_ =	shalt  }
0x6a: {  	_ =	shalt  }
0x6b: {  	_ =	shalt  }
0x6c: {  	_ =	shalt  }
0x6d: {  	_ =	shalt  }
0x6e: {  	_ =	shalt  }
0x6f: {  	_ =	shalt  }
0x70: {  	_ =	shalt  }
0x71: {  	_ =	shalt  }
0x72: {  	_ =	shalt  }
0x73: {  	_ =	shalt  }
0x74: {  	_ =	shalt  }
0x75: {  	_ =	shalt  }
0x76: {  	_ =	shalt  }
0x77: {  	_ =	shalt  }
0x78: {  	_ =	shalt  }
0x79: {  	_ =	shalt  }
0x7a: {  	_ =	shalt  }
0x7b: {  	_ =	shalt  }
0x7c: {  	_ =	shalt  }
0x7d: {  	_ =	shalt  }
0x7e: {  	_ =	shalt  }
0x7f: {  	_ =	shalt  }
0x80: {  	_ =	shalt  }
0x81: {  	_ =	shalt  }
0x82: {  	_ =	shalt  }
0x83: {  	_ =	shalt  }
0x84: {  	_ =	shalt  }
0x85: {  	_ =	shalt  }
0x86: {  	_ =	shalt  }
0x87: {  	_ =	shalt  }
.Lfunc_end0:
.L_simem_size_0:
called_computation.1_lowered:
.L_overlay_start_0:
0x88: {  	s2 =	sld [smem:$0x3FD9]  }
0x89: {  	s3 =	sld [smem:$0x3FFE];
	_ =	sdelay $0x1  }
0x8a: {  	s1 =	srdreg.scid  }
0x8b: {  	s0 =	sand.u32 $0x1, s1  }
0x8c: {  	s16 =	sshll.u32 s0, $0xA;
	s2 =	sadd.s32 s3, s2  }
0x8d: {  	s2 =	sadd.s32 s2, s16  }
0x8e: {  	[smem:$0x3FBD] =	sst s2  }
0x8f: {  	_ = 	snop  }
0x90: {  	(tm) =	ssettm $0x1  }
0x91: {  	s17 =	sld [smem:$0x3FFB];
	_ =	sdelay $0x3  }
0x92: {  	_ =	strace s17  }
0x93: {  	s2 =	sld [smem:$0x3FFC];
	_ =	sdelay $0x3  }
0x94: {  	_ =	strace s2  }
0x95: {  	s2 =	sld [smem:$0x3FFD];
	_ =	sdelay $0x3  }
0x96: {  	_ =	strace s2  }
0x97: {  	_ =	strace $0x8FFFFFFF  }
0x98: {  	s18 =	sld [smem:$0x3FDB];
	_ =	sdelay $0x1  }
0x99: {  	s19 =	simm.s32 $_scs_section_size  }
0x9a: {  	s4 =	simm.s32 $_size__tile_overlayer_lowered;
	s5 =	simm.s32 $_tile_overlayer_lowered  }
0x9b: {  	s22 =	simm.s32 $0x1BFF;
	s21 =	sshll.u32 s5, $0x1;
	s2 =	sadd.s32 s19, s18  }
0x9c: {  	s6 =	simm.s32 $0x0;
	s20 =	sshll.u32 s4, $0x1;
	s4 =	sadd.s32 s21, s2  }
0x9d: {  	[timem:s6], [sflag:s22] =	dma.local [hbm:s4], s20  }
0x9e: {  	_ =	swait.ge [sflag:s22], s20  }
0x9f: {  	s3 =	ssub.s32 $0x0, s20;
	[sflag:s22] =	ssyncset.done $0x0  }
0xa0: {  	[sflag:s22] =	ssyncadd.s32 s3;
	_ =	sdelay $0x1  }
0xa1: {  	s23 =	simm.s32 $0x1B8B  }
0xa2: {  	_ =	swait.ge [sflag:s23], $0x1  }
0xa3: {  	[sflag:s23] =	ssyncset.done $0x0  }
0xa4: {  	s25 =	simm.s32 $0x1B8E;
	s24 =	sld [smem:$0x3FFE];
	[sflag:s23] =	ssyncadd.s32 $0xFFFFFFFF  }
0xa5: {  	s26 =	simm.s32 $execute0_lowered;
	[smem:$0x3FD2] =	sst s25  }
0xa6: {  	s4 =	sshll.u32 s26, $0x1;
	_ =	strace $0x80000049;
	[dreg:$0x1] =	wrdreg $0xFFFFFFFF  }
0xa7: {  	s28 =	simm.s32 $_size_execute0_lowered;
	s2 =	sadd.s32 s2, s4;
	[dreg:$0x0] =	wrdreg $0x0  }
0xa8: {  	s4 =	sshll.u32 s28, $0x1;
	[dreg:$0x2] =	wrdreg s2  }
0xa9: {  	[dreg:$0x3] =	wrdreg s4  }
0xaa: {  	[dreg:$0x4] =	wrdreg $0xC0  }
0xab: {  	_ =	task [dreg:s6], $0x5FFFF  }
0xac: {  	[dreg:$0x1] =	wrdreg $0xFFFFFFFF  }
0xad: {  	[dreg:$0x0] =	wrdreg $0x60  }
0xae: {  	[dreg:$0x2] =	wrdreg s24  }
0xaf: {  	[dreg:$0x3] =	wrdreg $0xA8000  }
0xb0: {  	[dreg:$0x4] =	wrdreg $0x9  }
0xb1: {  	_ =	task.clear_ibuf [dreg:s6], $0x5FFFF;
	_ =	strace $0x90000049  }
0xb2: {  	s29 =	simm.s32 $0x9;
	_ =	strace $0x8000004B  }
0xb3: {  	_ =	swait.ge [sflag:s29], $0x1  }
0xb4: {  	[sflag:s29] =	ssyncadd.s32 $0xFFFFFFFF  }
0xb5: {  	_ =	strace $0x9000004B  }
0xb6: {  	_ =	sfence  }
0xb7: {  	s30 =	sld [smem:$0x0];
	_ =	sdelay $0x2  }
0xb8: {  	s31 =	sshll.u32 s1, $0xD;
	s1 =	sshrl.u32 s1, $0x2  }
0xb9: {  	s3 =	sand.u32 $0x4000, s31;
	s1 =	sadd.s32 s1, s30  }
0xba: {  	s0 =	sor.u32 s3, s0;
	s1 =	sshll.u32 s1, $0x11  }
0xbb: {  	s0 =	sor.u32 s1, s0  }
0xbc: {  	s0 =	sadd.s32 $0x8F2B, s0  }
0xbd: {  	[sflag:s0] =	ssyncadd.remote.s32 $0x1  }
0xbe: {  	_ =	sfence.sel $0xFFFF  }
0xbf: {  	[dreg:$0x0] =	wrdreg $0xFFFFFFFF;
	(pc) =	sbr.abs _section_cstart, $3  }
0xc0: {  	[dreg:$0x1] =	wrdreg $0xFFFFFFFF  }
0xc1: {  	_ =	task.clear_ibuf [dreg:s6], $0x2FFFF;
	_ =	strace $0x9FFFFFFF  }
0xc2: {  	(tm) =	ssettm $0x7FFFFFFF  }
0xc3: {  	_ =	shalt  }
tec
execute0_lowered:
.L_overlay_start_1:
0x0: {  	(tag) =	ssettag $0x1  }
0x1: {  	s6 =	rddreg [dreg:$0x0]  }
0x2: {  	s2 =	rddreg [dreg:$0x1]  }
0x3: {  	s0 =	rddreg [dreg:$0x2];
	s3 =	simm.s32 $0x0;
	s4 =	srdreg.scid  }
0x4: {  	s1 =	stileid.u32;
	s15 =	simm.s32 $0x1400;
	s16 =	simm.s32 $0x80  }
0x5: {  	s17 =	simm.s32 $0x2800;
	s18 =	simm.s32 $0x1;
	s19 =	simm.s32 $0x6800  }
0x6: {  	s20 =	simm.s32 $0x2;
	s21 =	simm.s32 $0x3;
	s22 =	simm.s32 $0x4  }
0x7: {  	s23 =	simm.s32 $0x1380;
	s24 =	simm.s32 $0x2700;
	s7 =	smul.u32 $0x2780, s1  }
0x8: {  	[smem:$0x7FF] =	sst s3;
	s5 =	sand.u32 $0x1, s4;
	s9 =	smul.u32 $0x4F000, s1  }
0x9: {  	s12 =	sadd.s32 $0x3000, s6;
	s11 =	sadd.s32 $0xD000, s6;
	s14 =	smul.u32 $0x2800, s1  }
0xa: {  	s4 =	sadd.s32 $0x19800, s6;
	s28 =	sshll.u32 s1, $0x6;
	s8 =	smul.u32 $0x28A00, s5  }
0xb: {  	_ =	strace $0x8000004A;
	s10 =	ssub.s32 $0x2, s5;
	s13 =	smul.u32 $0x28000, s5  }
0xc: {  	s5 =	sadd.s32 $0x17000, s6;
	s25 =	sshrl.u32 s10, $0x1;
	s26 =	sshrl.u32 s9, $0x2  }
0xd: {  	s7 =	sadd.s32 s7, s8;
	s8 =	ssub.s32 s10, s25;
	s29 =	sadd.s32 s14, s13  }
0xe: {  	s30 =	sadd.s32 s26, s2;
	s14 =	simm.s32 $0x5;
	s25 =	simm.s32 $0x2780  }
0xf: {  	s26 =	simm.s32 $0x0;
	s7 =	sadd.s32 s7, s6;
	s6 =	sor.u32 $0x1C05, s28  }
0x10: {  	s10 =	sshrl.u32 s29, $0x3;
	s8 =	smax.u32 s8, $0x1;
	s13 =	sshrl.u32 s30, $0x3  }
0x11: {  	s7 =	sadd.s32 $0x40A00, s7;
	s31 =	sadd.s32 $0x280, s10;
	s9 =	sadd.s32 s11, s10  }
0x12: {  	s10 =	sadd.s32 s12, s10;
	s11 =	sadd.s32 s11, s31;
	s12 =	sadd.s32 s12, s31  }
.LBB2_1:
0x13: {  	[spmem:s13], [sflag:s6] =	dma.local [hbm:s5], $0x2780  }
0x14: {  	_ =	swait.ge [sflag:s14], $0x2780  }
0x15: {  	[sflag:s14] =	ssyncset.done $0x0  }
0x16: {  	[sflag:s14] =	ssyncadd.s32 $0xFFFFD880  }
0x17: {  	[bflag:$0x0] =	sbarrier.arrive $0xFFFF  }
0x18: {  	[tilespmem:s15], [sflag:$0x5] =	stream.linear.gather [hbm4b:s9+s3], $0x1400, $0x38;
	[tilespmem:$0x1E400] =	vst v63  }
0x19: {  	_ =	swait.ge [sflag:s14], $0x1400  }
0x1a: {  	[sflag:s14] =	ssyncset.done $0x0  }
0x1b: {  	[sflag:s14] =	ssyncadd.s32 $0xFFFFEC00  }
0x1c: {  	[tilespmem:s3], [sflag:$0x5] =	stream.linear.gather [hbm4b:s10+s3], $0x1400, $0x38;
	[tilespmem:$0x1E400] =	vst v63  }
0x1d: {  	_ =	swait.ge [sflag:s14], $0x1400  }
0x1e: {  	[sflag:s14] =	ssyncset.done $0x0  }
0x1f: {  	[sflag:s14] =	ssyncadd.s32 $0xFFFFEC00  }
0x20: {  	[tilespmem:s17], [sflag:$0x1] =	stream.indirect.gather [hbm4b:s4+s16], $0x80, s3, s16, $0xb8;
	[tilespmem:$0x1E400] =	vst v63  }
0x21: {  	_ =	swait.ge [sflag:s18], $0x4000  }
0x22: {  	[sflag:s18] =	ssyncset.done $0x0  }
0x23: {  	s28 =	simm.s32 $0x80;
	[sflag:s18] =	ssyncadd.s32 $0xFFFFC000  }
0x24: {  	[tilespmem:s19], [sflag:$0x2] =	stream.indirect.gather [hbm4b:s4+s16], $0x80, s28, s16, $0xb8;
	[tilespmem:$0x1E400] =	vst v63  }
0x25: {  	s28 =	simm.s32 $0x1400  }
0x26: {  	[spmem:s2] =	stream.indirect.scatter.add.f32 [tilespmem:s17], [sflag:$0x3], $0x80, s28, s16, $0xb8;
	[tilespmem:$0x1E400] =	vst v63  }
0x27: {  	_ =	swait.ge [sflag:s20], $0x4000  }
0x28: {  	[sflag:s20] =	ssyncset.done $0x0  }
0x29: {  	[sflag:s20] =	ssyncadd.s32 $0xFFFFC000  }
0x2a: {  	_ =	swait.ge [sflag:s21], $0x4000  }
0x2b: {  	[sflag:s21] =	ssyncset.done $0x0  }
0x2c: {  	s28 =	simm.s32 $0x100;
	[sflag:s21] =	ssyncadd.s32 $0xFFFFC000  }
0x2d: {  	[tilespmem:s17], [sflag:$0x1] =	stream.indirect.gather [hbm4b:s4+s16], $0x80, s28, s16, $0xb8;
	[tilespmem:$0x1E400] =	vst v63  }
0x2e: {  	s28 =	simm.s32 $0x1480  }
0x2f: {  	[spmem:s2] =	stream.indirect.scatter.add.f32 [tilespmem:s19], [sflag:$0x4], $0x80, s28, s16, $0xb8;
	[tilespmem:$0x1E400] =	vst v63  }
0x30: {  	_ =	swait.ge [sflag:s22], $0x4000  }
0x31: {  	s28 =	simm.s32 $0x400;
	[sflag:s22] =	ssyncset.done $0x0  }
.LBB2_2:
0x32: {  	p0 =	sne.s32 s28, $0x4800  }
0x33: {  	[sflag:s22] =	ssyncadd.s32 $0xFFFFC000;
	s29 =	smov.u32 s28;
	s28 =	sadd.s32 $0x400, s28  }
0x34: {  	_ = 	snop  }
0x35: {  	_ =	swait.ge [sflag:s18], $0x4000  }
0x36: {  	s29 =	sshra.s32 s29, $0x2;
	[sflag:s18] =	ssyncset.done $0x0  }
0x37: {  	s30 =	sadd.s32 $0x80, s29;
	[sflag:s18] =	ssyncadd.s32 $0xFFFFC000  }
0x38: {  	[tilespmem:s19], [sflag:$0x2] =	stream.indirect.gather [hbm4b:s4+s16], $0x80, s30, s16, $0xb8;
	[tilespmem:$0x1E400] =	vst v63  }
0x39: {  	s30 =	sadd.s32 $0x1400, s29  }
0x3a: {  	[spmem:s2] =	stream.indirect.scatter.add.f32 [tilespmem:s17], [sflag:$0x3], $0x80, s30, s16, $0xb8;
	[tilespmem:$0x1E400] =	vst v63  }
0x3b: {  	_ =	swait.ge [sflag:s20], $0x4000  }
0x3c: {  	[sflag:s20] =	ssyncset.done $0x0  }
0x3d: {  	[sflag:s20] =	ssyncadd.s32 $0xFFFFC000  }
0x3e: {  	_ =	swait.ge [sflag:s21], $0x4000  }
0x3f: {  	[sflag:s21] =	ssyncset.done $0x0  }
0x40: {  	s30 =	sadd.s32 $0x100, s29;
	[sflag:s21] =	ssyncadd.s32 $0xFFFFC000  }
0x41: {  	[tilespmem:s17], [sflag:$0x1] =	stream.indirect.gather [hbm4b:s4+s16], $0x80, s30, s16, $0xb8;
	[tilespmem:$0x1E400] =	vst v63  }
.Ltmp0:
0x42: {  	_ = 	snop;
	(pc) =	sbr.rel @p0 .LBB2_2-.Ltmp0, $4  }
0x43: {  	s29 =	sadd.s32 $0x1480, s29  }
0x44: {  	[spmem:s2] =	stream.indirect.scatter.add.f32 [tilespmem:s19], [sflag:$0x4], $0x80, s29, s16, $0xb8;
	[tilespmem:$0x1E400] =	vst v63  }
0x45: {  	_ =	swait.ge [sflag:s22], $0x4000  }
0x46: {  	[sflag:s22] =	ssyncset.done $0x0  }
0x47: {  	[sflag:s22] =	ssyncadd.s32 $0xFFFFC000  }
0x48: {  	_ =	swait.ge [sflag:s18], $0x4000  }
0x49: {  	[sflag:s18] =	ssyncset.done $0x0  }
0x4a: {  	[sflag:s18] =	ssyncadd.s32 $0xFFFFC000  }
0x4b: {  	[tilespmem:s19], [sflag:$0x2] =	stream.indirect.gather [hbm4b:s4+s16], $0x80, s23, s16, $0xb8;
	[tilespmem:$0x1E400] =	vst v63  }
0x4c: {  	_ = 	snop  }
0x4d: {  	[spmem:s2] =	stream.indirect.scatter.add.f32 [tilespmem:s17], [sflag:$0x3], $0x80, s24, s16, $0xb8;
	[tilespmem:$0x1E400] =	vst v63  }
0x4e: {  	_ =	swait.ge [sflag:s20], $0x4000  }
0x4f: {  	[sflag:s20] =	ssyncset.done $0x0  }
0x50: {  	[sflag:s20] =	ssyncadd.s32 $0xFFFFC000  }
0x51: {  	_ =	swait.ge [sflag:s21], $0x4000  }
0x52: {  	[sflag:s21] =	ssyncset.done $0x0  }
0x53: {  	[sflag:s21] =	ssyncadd.s32 $0xFFFFC000  }
0x54: {  	[spmem:s2] =	stream.indirect.scatter.add.f32 [tilespmem:s19], [sflag:$0x4], $0x80, s25, s16, $0xb8;
	[tilespmem:$0x1E400] =	vst v63  }
0x55: {  	_ =	swait.ge [sflag:s22], $0x4000  }
0x56: {  	[sflag:s22] =	ssyncset.done $0x0  }
0x57: {  	s28 =	simm.s32 $0x0;
	[sflag:s22] =	ssyncadd.s32 $0xFFFFC000  }
0x58: {  	[tilespmem:s15], [sflag:$0x5] =	stream.linear.gather [hbm4b:s11+s28], $0x1400, $0x38;
	[tilespmem:$0x1E400] =	vst v63  }
0x59: {  	_ =	swait.ge [sflag:s14], $0x1400  }
0x5a: {  	[sflag:s14] =	ssyncset.done $0x0  }
0x5b: {  	[sflag:s14] =	ssyncadd.s32 $0xFFFFEC00  }
0x5c: {  	[tilespmem:s28], [sflag:$0x5] =	stream.linear.gather [hbm4b:s12+s28], $0x1400, $0x38;
	[tilespmem:$0x1E400] =	vst v63  }
0x5d: {  	_ =	swait.ge [sflag:s14], $0x1400  }
0x5e: {  	[sflag:s14] =	ssyncset.done $0x0  }
0x5f: {  	[sflag:s14] =	ssyncadd.s32 $0xFFFFEC00  }
0x60: {  	[tilespmem:s17], [sflag:$0x1] =	stream.indirect.gather [hbm4b:s4+s16], $0x80, s28, s16, $0xb8;
	[tilespmem:$0x1E400] =	vst v63  }
0x61: {  	_ =	swait.ge [sflag:s18], $0x4000  }
0x62: {  	[sflag:s18] =	ssyncset.done $0x0  }
0x63: {  	s28 =	simm.s32 $0x80;
	[sflag:s18] =	ssyncadd.s32 $0xFFFFC000  }
0x64: {  	[tilespmem:s19], [sflag:$0x2] =	stream.indirect.gather [hbm4b:s4+s16], $0x80, s28, s16, $0xb8;
	[tilespmem:$0x1E400] =	vst v63  }
0x65: {  	s28 =	simm.s32 $0x1400  }
0x66: {  	[spmem:s2] =	stream.indirect.scatter.add.f32 [tilespmem:s17], [sflag:$0x3], $0x80, s28, s16, $0xb8;
	[tilespmem:$0x1E400] =	vst v63  }
0x67: {  	_ =	swait.ge [sflag:s20], $0x4000  }
0x68: {  	[sflag:s20] =	ssyncset.done $0x0  }
0x69: {  	[sflag:s20] =	ssyncadd.s32 $0xFFFFC000  }
0x6a: {  	_ =	swait.ge [sflag:s21], $0x4000  }
0x6b: {  	[sflag:s21] =	ssyncset.done $0x0  }
0x6c: {  	s28 =	simm.s32 $0x100;
	[sflag:s21] =	ssyncadd.s32 $0xFFFFC000  }
0x6d: {  	[tilespmem:s17], [sflag:$0x1] =	stream.indirect.gather [hbm4b:s4+s16], $0x80, s28, s16, $0xb8;
	[tilespmem:$0x1E400] =	vst v63  }
0x6e: {  	s28 =	simm.s32 $0x1480  }
0x6f: {  	[spmem:s2] =	stream.indirect.scatter.add.f32 [tilespmem:s19], [sflag:$0x4], $0x80, s28, s16, $0xb8;
	[tilespmem:$0x1E400] =	vst v63  }
0x70: {  	_ =	swait.ge [sflag:s22], $0x4000  }
0x71: {  	s28 =	simm.s32 $0x400;
	[sflag:s22] =	ssyncset.done $0x0  }
.LBB2_4:
0x72: {  	p0 =	sne.s32 s28, $0x4800  }
0x73: {  	[sflag:s22] =	ssyncadd.s32 $0xFFFFC000;
	s29 =	smov.u32 s28;
	s28 =	sadd.s32 $0x400, s28  }
0x74: {  	_ = 	snop  }
0x75: {  	_ =	swait.ge [sflag:s18], $0x4000  }
0x76: {  	s29 =	sshra.s32 s29, $0x2;
	[sflag:s18] =	ssyncset.done $0x0  }
0x77: {  	s30 =	sadd.s32 $0x80, s29;
	[sflag:s18] =	ssyncadd.s32 $0xFFFFC000  }
0x78: {  	[tilespmem:s19], [sflag:$0x2] =	stream.indirect.gather [hbm4b:s4+s16], $0x80, s30, s16, $0xb8;
	[tilespmem:$0x1E400] =	vst v63  }
0x79: {  	s30 =	sadd.s32 $0x1400, s29  }
0x7a: {  	[spmem:s2] =	stream.indirect.scatter.add.f32 [tilespmem:s17], [sflag:$0x3], $0x80, s30, s16, $0xb8;
	[tilespmem:$0x1E400] =	vst v63  }
0x7b: {  	_ =	swait.ge [sflag:s20], $0x4000  }
0x7c: {  	[sflag:s20] =	ssyncset.done $0x0  }
0x7d: {  	[sflag:s20] =	ssyncadd.s32 $0xFFFFC000  }
0x7e: {  	_ =	swait.ge [sflag:s21], $0x4000  }
0x7f: {  	[sflag:s21] =	ssyncset.done $0x0  }
0x80: {  	s30 =	sadd.s32 $0x100, s29;
	[sflag:s21] =	ssyncadd.s32 $0xFFFFC000  }
0x81: {  	[tilespmem:s17], [sflag:$0x1] =	stream.indirect.gather [hbm4b:s4+s16], $0x80, s30, s16, $0xb8;
	[tilespmem:$0x1E400] =	vst v63  }
.Ltmp1:
0x82: {  	_ = 	snop;
	(pc) =	sbr.rel @p0 .LBB2_4-.Ltmp1, $4  }
0x83: {  	s29 =	sadd.s32 $0x1480, s29  }
0x84: {  	[spmem:s2] =	stream.indirect.scatter.add.f32 [tilespmem:s19], [sflag:$0x4], $0x80, s29, s16, $0xb8;
	[tilespmem:$0x1E400] =	vst v63  }
0x85: {  	_ =	swait.ge [sflag:s22], $0x4000  }
0x86: {  	[sflag:s22] =	ssyncset.done $0x0  }
0x87: {  	[sflag:s22] =	ssyncadd.s32 $0xFFFFC000  }
0x88: {  	_ =	swait.ge [sflag:s18], $0x4000  }
0x89: {  	[sflag:s18] =	ssyncset.done $0x0  }
0x8a: {  	[sflag:s18] =	ssyncadd.s32 $0xFFFFC000  }
0x8b: {  	[tilespmem:s19], [sflag:$0x2] =	stream.indirect.gather [hbm4b:s4+s16], $0x80, s23, s16, $0xb8;
	[tilespmem:$0x1E400] =	vst v63  }
0x8c: {  	_ = 	snop  }
0x8d: {  	[spmem:s2] =	stream.indirect.scatter.add.f32 [tilespmem:s17], [sflag:$0x3], $0x80, s24, s16, $0xb8;
	[tilespmem:$0x1E400] =	vst v63  }
0x8e: {  	_ =	swait.ge [sflag:s20], $0x4000  }
0x8f: {  	[sflag:s20] =	ssyncset.done $0x0  }
0x90: {  	[sflag:s20] =	ssyncadd.s32 $0xFFFFC000  }
0x91: {  	_ =	swait.ge [sflag:s21], $0x4000  }
0x92: {  	[sflag:s21] =	ssyncset.done $0x0  }
0x93: {  	[sflag:s21] =	ssyncadd.s32 $0xFFFFC000  }
0x94: {  	[spmem:s2] =	stream.indirect.scatter.add.f32 [tilespmem:s19], [sflag:$0x4], $0x80, s25, s16, $0xb8;
	[tilespmem:$0x1E400] =	vst v63  }
0x95: {  	_ =	swait.ge [sflag:s22], $0x4000  }
0x96: {  	s26 =	sadd.s32 $0x1, s26;
	[sflag:s22] =	ssyncset.done $0x0  }
0x97: {  	p0 =	sne.s32 s26, s8;
	[sflag:s22] =	ssyncadd.s32 $0xFFFFC000  }
.Ltmp2:
0x98: {  	[bflag:$0x0] =	sbarrier.arrive $0xFFFF;
	(pc) =	sbr.rel @p0 .LBB2_1-.Ltmp2, $4  }
0x99: {  	[hbm:s7], [sflag:s6] =	dma.local [spmem:s13], $0x2780  }
0x9a: {  	_ =	swait.ge [sflag:s14], $0x2780  }
0x9b: {  	[sflag:s14] =	ssyncset.done $0x0  }
0x9c: {  	[sflag:s14] =	ssyncadd.s32 $0xFFFFD880  }
0x9d: {  	_ =	sfence.sel $0x180000  }
0x9e: {  	[bflag:$0x0] =	sbarrier.arrive $0xFFFF  }
0x9f: {  	p0 =	sne.s32 s1, $0x0;
	_ =	strace $0x9000004A  }
0xa0: {  	s0 =	sadd.s32 @!p0 $0x100000, s0;
	[bflag:$0x2] =	sbarrier.arrive $0xFFFF  }
0xa1: {  	[sflag:s0] =	ssyncadd.tile.s32 @!p0 $0x1;
	_ =	shalt  }
.Lfunc_end2:
_tile_overlayer_lowered:
.L_overlay_start_2:
0xa2: {  	(tag) =	ssettag $0x2  }
0xa3: {  	s0 =	rddreg [dreg:$0x0];
	s2 =	stileid.u32  }
0xa4: {  	s1 =	rddreg [dreg:$0x1];
	p0 =	sne.s32 s2, $0x0  }
0xa5: {  	s3 =	rddreg [dreg:$0x2];
	[bflag:$0x3] =	sbarrier.arrive $0xFFFF;
	s2 =	simm.s32 @!p0 $0x1C05  }
0xa6: {  	[timem:s3], [sflag:s2] =	dma.local @!p0 [hbm:s0], s1  }
0xa7: {  	s0 =	simm.s32 @!p0 $0x5  }
0xa8: {  	_ =	swait.ge @!p0 [sflag:s0], s1  }
0xa9: {  	s1 =	ssub.s32 @!p0 $0x0, s1;
	[sflag:s0] =	ssyncset.done @!p0 $0x0  }
0xaa: {  	[sflag:s0] =	ssyncadd.s32 @!p0 s1  }
0xab: {  	[bflag:$0x3] =	sbarrier.arrive $0xFFFF  }
0xac: {  	_ =	shalt  }

// kernel: kernel.16.cloned.1.call-start
scs
__scs_entry_jumppad:
0x0: {  	(pc) =	sbr.rel $0x88, $3  }
0x1: {  	(tag) =	ssettag $0x0;
	lr =	simm.s32 $0x1  }
0x2: {  	[smem:$0x3F96] =	sst lr;
	_ =	strace $0xD0000000  }
0x3: {  	_ = 	snop  }
0x4: {  	_ = 	snop  }
0x5: {  	_ = 	snop  }
0x6: {  	_ = 	snop  }
0x7: {  	_ = 	snop  }
__scs_overlays_trampoline_lowered:
0x8: {  	[smem:$0x3FA5] =	sst s0  }
0x9: {  	[smem:$0x3FA6] =	sst s1  }
0xa: {  	[smem:$0x3FA7] =	sst s2  }
0xb: {  	[smem:$0x3FA8] =	sst s3  }
0xc: {  	[smem:$0x3FA9] =	sst s4  }
0xd: {  	[smem:$0x3FAA] =	sst s5  }
0xe: {  	[smem:$0x3FAB] =	sst s6  }
0xf: {  	[smem:$0x3FAC] =	sst s7  }
0x10: {  	[smem:$0x3FAD] =	sst s8  }
0x11: {  	[smem:$0x3FAE] =	sst s9;
	s0 =	simm.s32 @!p0 $0x0  }
0x12: {  	s1 =	sld [smem:$0x3F94];
	s0 =	simm.s32 @p0 $0x1  }
0x13: {  	[smem:$0x3FAF] =	sst s0;
	s0 =	simm.s32 @!p1 $0x0  }
0x14: {  	s2 =	sld [smem:$0x3F93];
	s0 =	simm.s32 @p1 $0x1  }
0x15: {  	[smem:$0x3FB0] =	sst s0;
	s0 =	simm.s32 @!p2 $0x0  }
0x16: {  	s3 =	sld [smem:$0x3FDB];
	s0 =	simm.s32 @p2 $0x1  }
0x17: {  	s4 =	simm.s32 $0x1BF5;
	[smem:$0x3FB2] =	sst s0  }
0x18: {  	s0 =	sld [smem:$0x3F95];
	_ =	swait.ge [sflag:s4], $0x0  }
0x19: {  	s7 =	sld [smem:$0x3F96]  }
0x1a: {  	s8 =	sadd.s32 $0xFFFFE003, lr  }
0x1b: {  	s9 =	sadd.s32 $0xFFFFFEF7, lr;
	s5 =	simm.s32 $0xFFFFFFFF;
	p2 =	slt.u32 s8, $0xFFFFF086  }
0x1c: {  	p1 =	slt.u32 s9, $0xF7A;
	s5 =	simm.s32 @!p2 $0x0  }
0x1d: {  	s5 =	simm.s32 @p1 $0x1;
	p0 =	seq.s32 s7, s2  }
0x1e: {  	s7 =	smul.u32 @!p0 $0xF7A, s2;
	p2 =	seq.s32 @!p0 s5, $0x0  }
0x1f: {  	s9 =	smul.u32 $0xF7A, s1;
	s8 =	simm.s32 @!p0 $0x1BF5;
	p2 =	por !p2, p0  }
0x20: {  	[sflag:s8] =	ssyncset.s32 @!p0 $0xFFFFF086;
	s6 =	sadd.s32 @!p0 s3, s7;
	s7 =	simm.s32 @!p0 $0x108  }
0x21: {  	s3 =	sadd.s32 s3, s9;
	s6 =	sadd.s32 @!p0 $0x88, s6;
	s7 =	simm.s32 @p2 $0x1082  }
0x22: {  	[simem:s7], [sflag:s8] =	dma.local @!p0 [hbm:s6], $0xF7A  }
0x23: {  	s9 =	sor.u32 $0xD0000000, s2;
	s6 =	simm.s32 $0x108;
	_ =	swait.ge @!p0 [sflag:s8], $0x0  }
0x24: {  	s3 =	sadd.s32 $0x88, s3;
	s6 =	simm.s32 @!p1 $0x1082;
	[sflag:s4] =	ssyncset.s32 $0xFFFFF086  }
0x25: {  	[simem:s6], [sflag:s4] =	dma.local [hbm:s3], $0xF7A  }
0x26: {  	[smem:$0x3F96] =	sst s1;
	(tag) =	ssettag s2;
	_ =	strace s9  }
0x27: {  	s1 =	sld [smem:$0x3FA6]  }
0x28: {  	s2 =	sld [smem:$0x3FA7]  }
0x29: {  	s4 =	sld [smem:$0x3FA9]  }
0x2a: {  	p0 =	seq.s32 s5, $0x0;
	s5 =	sld [smem:$0x3FAA]  }
0x2b: {  	s6 =	sld [smem:$0x3FAB]  }
0x2c: {  	s7 =	sld [smem:$0x3FAC]  }
0x2d: {  	s3 =	simm.s32 $0x108;
	s8 =	sld [smem:$0x3FAD]  }
0x2e: {  	s3 =	simm.s32 @!p0 $0x1082;
	s9 =	sld [smem:$0x3FAE]  }
0x2f: {  	lr =	sadd.s32 s0, s3;
	s0 =	sld [smem:$0x3FA5]  }
0x30: {  	s3 =	sld [smem:$0x3FA8]  }
0x31: {  	[smem:$0x3FB1] =	sst s10  }
0x32: {  	s10 =	sld [smem:$0x3FAF];
	_ =	sdelay $0x3  }
0x33: {  	p0 =	seq.s32 s10, $0x1;
	s10 =	sld [smem:$0x3FB1];
	_ =	sdelay $0x3  }
0x34: {  	[smem:$0x3FB1] =	sst s10  }
0x35: {  	s10 =	sld [smem:$0x3FB0];
	_ =	sdelay $0x3  }
0x36: {  	p1 =	seq.s32 s10, $0x1;
	s10 =	sld [smem:$0x3FB1];
	_ =	sdelay $0x3  }
0x37: {  	[smem:$0x3FB1] =	sst s10  }
0x38: {  	s10 =	sld [smem:$0x3FB2]  }
0x39: {  	_ = 	snop;
	(pc) =	sbr.ind lr, $3  }
0x3a: {  	_ = 	snop  }
0x3b: {  	_ = 	snop  }
0x3c: {  	p2 =	seq.s32 s10, $0x1;
	s10 =	sld [smem:$0x3FB1]  }
0x3d: {  	_ =	shalt  }
0x3e: {  	_ =	shalt  }
0x3f: {  	_ =	shalt  }
0x40: {  	_ =	shalt  }
0x41: {  	_ =	shalt  }
0x42: {  	_ =	shalt  }
0x43: {  	_ =	shalt  }
0x44: {  	_ =	shalt  }
0x45: {  	_ =	shalt  }
0x46: {  	_ =	shalt  }
0x47: {  	_ =	shalt  }
0x48: {  	_ =	shalt  }
0x49: {  	_ =	shalt  }
0x4a: {  	_ =	shalt  }
0x4b: {  	_ =	shalt  }
0x4c: {  	_ =	shalt  }
0x4d: {  	_ =	shalt  }
0x4e: {  	_ =	shalt  }
0x4f: {  	_ =	shalt  }
0x50: {  	_ =	shalt  }
0x51: {  	_ =	shalt  }
0x52: {  	_ =	shalt  }
0x53: {  	_ =	shalt  }
0x54: {  	_ =	shalt  }
0x55: {  	_ =	shalt  }
0x56: {  	_ =	shalt  }
0x57: {  	_ =	shalt  }
0x58: {  	_ =	shalt  }
0x59: {  	_ =	shalt  }
0x5a: {  	_ =	shalt  }
0x5b: {  	_ =	shalt  }
0x5c: {  	_ =	shalt  }
0x5d: {  	_ =	shalt  }
0x5e: {  	_ =	shalt  }
0x5f: {  	_ =	shalt  }
0x60: {  	_ =	shalt  }
0x61: {  	_ =	shalt  }
0x62: {  	_ =	shalt  }
0x63: {  	_ =	shalt  }
0x64: {  	_ =	shalt  }
0x65: {  	_ =	shalt  }
0x66: {  	_ =	shalt  }
0x67: {  	_ =	shalt  }
0x68: {  	_ =	shalt  }
0x69: {  	_ =	shalt  }
0x6a: {  	_ =	shalt  }
0x6b: {  	_ =	shalt  }
0x6c: {  	_ =	shalt  }
0x6d: {  	_ =	shalt  }
0x6e: {  	_ =	shalt  }
0x6f: {  	_ =	shalt  }
0x70: {  	_ =	shalt  }
0x71: {  	_ =	shalt  }
0x72: {  	_ =	shalt  }
0x73: {  	_ =	shalt  }
0x74: {  	_ =	shalt  }
0x75: {  	_ =	shalt  }
0x76: {  	_ =	shalt  }
0x77: {  	_ =	shalt  }
0x78: {  	_ =	shalt  }
0x79: {  	_ =	shalt  }
0x7a: {  	_ =	shalt  }
0x7b: {  	_ =	shalt  }
0x7c: {  	_ =	shalt  }
0x7d: {  	_ =	shalt  }
0x7e: {  	_ =	shalt  }
0x7f: {  	_ =	shalt  }
0x80: {  	_ =	shalt  }
0x81: {  	_ =	shalt  }
0x82: {  	_ =	shalt  }
0x83: {  	_ =	shalt  }
0x84: {  	_ =	shalt  }
0x85: {  	_ =	shalt  }
0x86: {  	_ =	shalt  }
0x87: {  	_ =	shalt  }
.Lfunc_end0:
.L_simem_size_0:
called_computation.2_lowered:
.L_overlay_start_0:
0x88: {  	s2 =	sld [smem:$0x3FD9]  }
0x89: {  	s3 =	sld [smem:$0x3FFE];
	_ =	sdelay $0x1  }
0x8a: {  	s1 =	srdreg.scid  }
0x8b: {  	s0 =	sand.u32 $0x1, s1  }
0x8c: {  	s16 =	sshll.u32 s0, $0xA;
	s2 =	sadd.s32 s3, s2  }
0x8d: {  	s2 =	sadd.s32 s2, s16  }
0x8e: {  	[smem:$0x3FBD] =	sst s2  }
0x8f: {  	_ = 	snop  }
0x90: {  	(tm) =	ssettm $0x1  }
0x91: {  	s17 =	sld [smem:$0x3FFB];
	_ =	sdelay $0x3  }
0x92: {  	_ =	strace s17  }
0x93: {  	s2 =	sld [smem:$0x3FFC];
	_ =	sdelay $0x3  }
0x94: {  	_ =	strace s2  }
0x95: {  	s2 =	sld [smem:$0x3FFD];
	_ =	sdelay $0x3  }
0x96: {  	_ =	strace s2  }
0x97: {  	_ =	strace $0x8FFFFFFF  }
0x98: {  	s18 =	sld [smem:$0x3FDB];
	_ =	sdelay $0x1  }
0x99: {  	s19 =	simm.s32 $_scs_section_size  }
0x9a: {  	s4 =	simm.s32 $_size__tile_overlayer_lowered;
	s5 =	simm.s32 $_tile_overlayer_lowered  }
0x9b: {  	s22 =	simm.s32 $0x1BFF;
	s21 =	sshll.u32 s5, $0x1;
	s2 =	sadd.s32 s19, s18  }
0x9c: {  	s6 =	simm.s32 $0x0;
	s20 =	sshll.u32 s4, $0x1;
	s4 =	sadd.s32 s21, s2  }
0x9d: {  	[timem:s6], [sflag:s22] =	dma.local [hbm:s4], s20  }
0x9e: {  	_ =	swait.ge [sflag:s22], s20  }
0x9f: {  	s3 =	ssub.s32 $0x0, s20;
	[sflag:s22] =	ssyncset.done $0x0  }
0xa0: {  	[sflag:s22] =	ssyncadd.s32 s3;
	_ =	sdelay $0x1  }
0xa1: {  	s23 =	simm.s32 $0x1B8B  }
0xa2: {  	_ =	swait.ge [sflag:s23], $0x1  }
0xa3: {  	[sflag:s23] =	ssyncset.done $0x0  }
0xa4: {  	s25 =	simm.s32 $0x1B8E;
	s24 =	sld [smem:$0x3FFE];
	[sflag:s23] =	ssyncadd.s32 $0xFFFFFFFF  }
0xa5: {  	s26 =	simm.s32 $execute0_lowered;
	[smem:$0x3FD2] =	sst s25  }
0xa6: {  	s4 =	sshll.u32 s26, $0x1;
	_ =	strace $0x8000004C;
	[dreg:$0x1] =	wrdreg $0xFFFFFFFF  }
0xa7: {  	s28 =	simm.s32 $_size_execute0_lowered;
	s2 =	sadd.s32 s2, s4;
	[dreg:$0x0] =	wrdreg $0x0  }
0xa8: {  	s4 =	sshll.u32 s28, $0x1;
	[dreg:$0x2] =	wrdreg s2  }
0xa9: {  	[dreg:$0x3] =	wrdreg s4  }
0xaa: {  	[dreg:$0x4] =	wrdreg $0xC0  }
0xab: {  	_ =	task [dreg:s6], $0x5FFFF  }
0xac: {  	[dreg:$0x1] =	wrdreg $0xFFFFFFFF  }
0xad: {  	[dreg:$0x0] =	wrdreg $0x60  }
0xae: {  	[dreg:$0x2] =	wrdreg s24  }
0xaf: {  	[dreg:$0x3] =	wrdreg $0xA8000  }
0xb0: {  	[dreg:$0x4] =	wrdreg $0x9  }
0xb1: {  	_ =	task.clear_ibuf [dreg:s6], $0x5FFFF;
	_ =	strace $0x9000004C  }
0xb2: {  	s29 =	simm.s32 $0x9;
	_ =	strace $0x8000004E  }
0xb3: {  	_ =	swait.ge [sflag:s29], $0x1  }
0xb4: {  	[sflag:s29] =	ssyncadd.s32 $0xFFFFFFFF  }
0xb5: {  	_ =	strace $0x9000004E  }
0xb6: {  	_ =	sfence  }
0xb7: {  	s30 =	sld [smem:$0x0];
	_ =	sdelay $0x2  }
0xb8: {  	s31 =	sshll.u32 s1, $0xD;
	s1 =	sshrl.u32 s1, $0x2  }
0xb9: {  	s3 =	sand.u32 $0x4000, s31;
	s1 =	sadd.s32 s1, s30  }
0xba: {  	s0 =	sor.u32 s3, s0;
	s1 =	sshll.u32 s1, $0x11  }
0xbb: {  	s0 =	sor.u32 s1, s0  }
0xbc: {  	s0 =	sadd.s32 $0x8F2B, s0  }
0xbd: {  	[sflag:s0] =	ssyncadd.remote.s32 $0x1  }
0xbe: {  	_ =	sfence.sel $0xFFFF  }
0xbf: {  	[dreg:$0x0] =	wrdreg $0xFFFFFFFF;
	(pc) =	sbr.abs _section_cstart, $3  }
0xc0: {  	[dreg:$0x1] =	wrdreg $0xFFFFFFFF  }
0xc1: {  	_ =	task.clear_ibuf [dreg:s6], $0x2FFFF;
	_ =	strace $0x9FFFFFFF  }
0xc2: {  	(tm) =	ssettm $0x7FFFFFFF  }
0xc3: {  	_ =	shalt  }
tec
execute0_lowered:
.L_overlay_start_1:
0x0: {  	(tag) =	ssettag $0x1  }
0x1: {  	s8 =	rddreg [dreg:$0x0]  }
0x2: {  	s1 =	rddreg [dreg:$0x1]  }
0x3: {  	s0 =	rddreg [dreg:$0x2];
	s3 =	simm.s32 $0x0  }
0x4: {  	s4 =	srdreg.scid;
	s2 =	stileid.u32;
	s15 =	simm.s32 $0x80  }
0x5: {  	s16 =	simm.s32 $0x2800;
	s17 =	simm.s32 $0x1;
	s18 =	simm.s32 $0x6800  }
0x6: {  	s19 =	simm.s32 $0x2;
	s20 =	simm.s32 $0x3;
	s21 =	simm.s32 $0x4  }
0x7: {  	s22 =	simm.s32 $0x1380;
	s23 =	simm.s32 $0x2700;
	s24 =	simm.s32 $0x2780  }
0x8: {  	[smem:$0x7FF] =	sst s3;
	s9 =	sand.u32 $0x1, s4;
	s10 =	smul.u32 $0x2780, s2  }
0x9: {  	s4 =	sadd.s32 $0x91E00, s8;
	s5 =	sadd.s32 $0x3000, s8;
	s12 =	smul.u32 $0x4F000, s2  }
0xa: {  	s6 =	sadd.s32 $0x19800, s8;
	s7 =	sadd.s32 $0x17000, s8;
	s13 =	smul.u32 $0x5000, s2  }
0xb: {  	s31 =	sshll.u32 s2, $0x6;
	s11 =	smul.u32 $0x28A00, s9;
	s28 =	ssub.s32 $0x2, s9  }
0xc: {  	_ =	strace $0x8000004D;
	s9 =	smul.u32 $0x50000, s9;
	s29 =	sshrl.u32 s28, $0x1  }
0xd: {  	s30 =	sshrl.u32 s12, $0x2;
	s10 =	sadd.s32 s10, s11;
	s11 =	ssub.s32 s28, s29  }
0xe: {  	s14 =	sadd.s32 s30, s1;
	s9 =	sadd.s32 s13, s9;
	s13 =	simm.s32 $0x5  }
0xf: {  	s10 =	sadd.s32 s10, s8;
	s8 =	sor.u32 $0x1C05, s31;
	s11 =	smax.u32 s11, $0x1  }
0x10: {  	s12 =	sshrl.u32 s14, $0x3;
	s14 =	simm.s32 $0x1400;
	s10 =	sadd.s32 $0xA5E00, s10  }
.LBB2_1:
0x11: {  	[spmem:s12], [sflag:s8] =	dma.local [hbm:s7], $0x2780  }
0x12: {  	_ =	swait.ge [sflag:s13], $0x2780  }
0x13: {  	[sflag:s13] =	ssyncset.done $0x0  }
0x14: {  	[sflag:s13] =	ssyncadd.s32 $0xFFFFD880  }
0x15: {  	s25 =	simm.s32 $0x0;
	[bflag:$0x0] =	sbarrier.arrive $0xFFFF  }
.LBB2_2:
0x16: {  	s26 =	smul.u32 $0x1400, s25;
	_ =	sdelay $0x1  }
0x17: {  	s26 =	sadd.s32 s26, s9  }
0x18: {  	s26 =	sshrl.u32 s26, $0x3  }
0x19: {  	s29 =	simm.s32 $0x0;
	s28 =	sadd.s32 s5, s26  }
0x1a: {  	[tilespmem:s14], [sflag:$0x5] =	stream.linear.gather [hbm4b:s28+s29], $0x1400, $0x38;
	[tilespmem:$0x1E400] =	vst v63  }
0x1b: {  	_ =	swait.ge [sflag:s13], $0x1400  }
0x1c: {  	[sflag:s13] =	ssyncset.done $0x0  }
0x1d: {  	s26 =	sadd.s32 s4, s26;
	[sflag:s13] =	ssyncadd.s32 $0xFFFFEC00  }
0x1e: {  	[tilespmem:s29], [sflag:$0x5] =	stream.linear.gather [hbm4b:s26+s29], $0x1400, $0x38;
	[tilespmem:$0x1E400] =	vst v63  }
0x1f: {  	_ =	swait.ge [sflag:s13], $0x1400  }
0x20: {  	[sflag:s13] =	ssyncset.done $0x0  }
0x21: {  	[sflag:s13] =	ssyncadd.s32 $0xFFFFEC00  }
0x22: {  	[tilespmem:s16], [sflag:$0x1] =	stream.indirect.gather [hbm4b:s6+s15], $0x80, s29, s15, $0xb8;
	[tilespmem:$0x1E400] =	vst v63  }
0x23: {  	_ =	swait.ge [sflag:s17], $0x4000  }
0x24: {  	[sflag:s17] =	ssyncset.done $0x0  }
0x25: {  	s28 =	simm.s32 $0x80;
	[sflag:s17] =	ssyncadd.s32 $0xFFFFC000  }
0x26: {  	[tilespmem:s18], [sflag:$0x2] =	stream.indirect.gather [hbm4b:s6+s15], $0x80, s28, s15, $0xb8;
	[tilespmem:$0x1E400] =	vst v63  }
0x27: {  	s29 =	simm.s32 $0x1400  }
0x28: {  	[spmem:s1] =	stream.indirect.scatter.add.f32 [tilespmem:s16], [sflag:$0x3], $0x80, s29, s15, $0xb8;
	[tilespmem:$0x1E400] =	vst v63  }
0x29: {  	_ =	swait.ge [sflag:s19], $0x4000  }
0x2a: {  	[sflag:s19] =	ssyncset.done $0x0  }
0x2b: {  	[sflag:s19] =	ssyncadd.s32 $0xFFFFC000  }
0x2c: {  	_ =	swait.ge [sflag:s20], $0x4000  }
0x2d: {  	[sflag:s20] =	ssyncset.done $0x0  }
0x2e: {  	s30 =	simm.s32 $0x100;
	[sflag:s20] =	ssyncadd.s32 $0xFFFFC000  }
0x2f: {  	[tilespmem:s16], [sflag:$0x1] =	stream.indirect.gather [hbm4b:s6+s15], $0x80, s30, s15, $0xb8;
	[tilespmem:$0x1E400] =	vst v63  }
0x30: {  	s31 =	simm.s32 $0x1480  }
0x31: {  	[spmem:s1] =	stream.indirect.scatter.add.f32 [tilespmem:s18], [sflag:$0x4], $0x80, s31, s15, $0xb8;
	[tilespmem:$0x1E400] =	vst v63  }
0x32: {  	_ =	swait.ge [sflag:s21], $0x4000  }
0x33: {  	s26 =	simm.s32 $0x400;
	[sflag:s21] =	ssyncset.done $0x0  }
.LBB2_3:
0x34: {  	p0 =	sne.s32 s26, $0x4800  }
0x35: {  	[sflag:s21] =	ssyncadd.s32 $0xFFFFC000;
	s28 =	smov.u32 s26;
	s26 =	sadd.s32 $0x400, s26  }
0x36: {  	_ = 	snop  }
0x37: {  	_ =	swait.ge [sflag:s17], $0x4000  }
0x38: {  	s28 =	sshra.s32 s28, $0x2;
	[sflag:s17] =	ssyncset.done $0x0  }
0x39: {  	s29 =	sadd.s32 $0x80, s28;
	[sflag:s17] =	ssyncadd.s32 $0xFFFFC000  }
0x3a: {  	[tilespmem:s18], [sflag:$0x2] =	stream.indirect.gather [hbm4b:s6+s15], $0x80, s29, s15, $0xb8;
	[tilespmem:$0x1E400] =	vst v63  }
0x3b: {  	s29 =	sadd.s32 $0x1400, s28  }
0x3c: {  	[spmem:s1] =	stream.indirect.scatter.add.f32 [tilespmem:s16], [sflag:$0x3], $0x80, s29, s15, $0xb8;
	[tilespmem:$0x1E400] =	vst v63  }
0x3d: {  	_ =	swait.ge [sflag:s19], $0x4000  }
0x3e: {  	[sflag:s19] =	ssyncset.done $0x0  }
0x3f: {  	[sflag:s19] =	ssyncadd.s32 $0xFFFFC000  }
0x40: {  	_ =	swait.ge [sflag:s20], $0x4000  }
0x41: {  	[sflag:s20] =	ssyncset.done $0x0  }
0x42: {  	s29 =	sadd.s32 $0x100, s28;
	[sflag:s20] =	ssyncadd.s32 $0xFFFFC000  }
0x43: {  	[tilespmem:s16], [sflag:$0x1] =	stream.indirect.gather [hbm4b:s6+s15], $0x80, s29, s15, $0xb8;
	[tilespmem:$0x1E400] =	vst v63  }
.Ltmp0:
0x44: {  	_ = 	snop;
	(pc) =	sbr.rel @p0 .LBB2_3-.Ltmp0, $4  }
0x45: {  	s28 =	sadd.s32 $0x1480, s28  }
0x46: {  	[spmem:s1] =	stream.indirect.scatter.add.f32 [tilespmem:s18], [sflag:$0x4], $0x80, s28, s15, $0xb8;
	[tilespmem:$0x1E400] =	vst v63  }
0x47: {  	_ =	swait.ge [sflag:s21], $0x4000  }
0x48: {  	[sflag:s21] =	ssyncset.done $0x0  }
0x49: {  	[sflag:s21] =	ssyncadd.s32 $0xFFFFC000  }
0x4a: {  	_ =	swait.ge [sflag:s17], $0x4000  }
0x4b: {  	[sflag:s17] =	ssyncset.done $0x0  }
0x4c: {  	[sflag:s17] =	ssyncadd.s32 $0xFFFFC000  }
0x4d: {  	[tilespmem:s18], [sflag:$0x2] =	stream.indirect.gather [hbm4b:s6+s15], $0x80, s22, s15, $0xb8;
	[tilespmem:$0x1E400] =	vst v63  }
0x4e: {  	_ = 	snop  }
0x4f: {  	[spmem:s1] =	stream.indirect.scatter.add.f32 [tilespmem:s16], [sflag:$0x3], $0x80, s23, s15, $0xb8;
	[tilespmem:$0x1E400] =	vst v63  }
0x50: {  	_ =	swait.ge [sflag:s19], $0x4000  }
0x51: {  	[sflag:s19] =	ssyncset.done $0x0  }
0x52: {  	[sflag:s19] =	ssyncadd.s32 $0xFFFFC000  }
0x53: {  	s25 =	sadd.s32 $0x1, s25;
	_ =	swait.ge [sflag:s20], $0x4000  }
0x54: {  	p0 =	sne.s32 s25, $0x4;
	[sflag:s20] =	ssyncset.done $0x0  }
.Ltmp1:
0x55: {  	[sflag:s20] =	ssyncadd.s32 $0xFFFFC000;
	(pc) =	sbr.rel @p0 .LBB2_2-.Ltmp1, $4  }
0x56: {  	[spmem:s1] =	stream.indirect.scatter.add.f32 [tilespmem:s18], [sflag:$0x4], $0x80, s24, s15, $0xb8;
	[tilespmem:$0x1E400] =	vst v63  }
0x57: {  	_ =	swait.ge [sflag:s21], $0x4000  }
0x58: {  	[sflag:s21] =	ssyncset.done $0x0  }
0x59: {  	[sflag:s21] =	ssyncadd.s32 $0xFFFFC000  }
0x5a: {  	s3 =	sadd.s32 $0x1, s3  }
0x5b: {  	p0 =	sne.s32 s3, s11  }
.Ltmp2:
0x5c: {  	[bflag:$0x0] =	sbarrier.arrive $0xFFFF;
	(pc) =	sbr.rel @p0 .LBB2_1-.Ltmp2, $4  }
0x5d: {  	[hbm:s10], [sflag:s8] =	dma.local [spmem:s12], $0x2780  }
0x5e: {  	_ =	swait.ge [sflag:s13], $0x2780  }
0x5f: {  	[sflag:s13] =	ssyncset.done $0x0  }
0x60: {  	[sflag:s13] =	ssyncadd.s32 $0xFFFFD880  }
0x61: {  	_ =	sfence.sel $0x180000  }
0x62: {  	[bflag:$0x0] =	sbarrier.arrive $0xFFFF  }
0x63: {  	p0 =	sne.s32 s2, $0x0;
	_ =	strace $0x9000004D  }
0x64: {  	s0 =	sadd.s32 @!p0 $0x100000, s0;
	[bflag:$0x2] =	sbarrier.arrive $0xFFFF  }
0x65: {  	[sflag:s0] =	ssyncadd.tile.s32 @!p0 $0x1;
	_ =	shalt  }
.Lfunc_end2:
_tile_overlayer_lowered:
.L_overlay_start_2:
0x66: {  	(tag) =	ssettag $0x2  }
0x67: {  	s0 =	rddreg [dreg:$0x0];
	s2 =	stileid.u32  }
0x68: {  	s1 =	rddreg [dreg:$0x1];
	p0 =	sne.s32 s2, $0x0  }
0x69: {  	s3 =	rddreg [dreg:$0x2];
	[bflag:$0x3] =	sbarrier.arrive $0xFFFF;
	s2 =	simm.s32 @!p0 $0x1C05  }
0x6a: {  	[timem:s3], [sflag:s2] =	dma.local @!p0 [hbm:s0], s1  }
0x6b: {  	s0 =	simm.s32 @!p0 $0x5  }
0x6c: {  	_ =	swait.ge @!p0 [sflag:s0], s1  }
0x6d: {  	s1 =	ssub.s32 @!p0 $0x0, s1;
	[sflag:s0] =	ssyncset.done @!p0 $0x0  }
0x6e: {  	[sflag:s0] =	ssyncadd.s32 @!p0 s1  }
0x6f: {  	[bflag:$0x3] =	sbarrier.arrive $0xFFFF  }
0x70: {  	_ =	shalt  }

// kernel: kernel.19.cloned.1.call-start
scs
__scs_entry_jumppad:
0x0: {  	(pc) =	sbr.rel $0x88, $3  }
0x1: {  	(tag) =	ssettag $0x0;
	lr =	simm.s32 $0x1  }
0x2: {  	[smem:$0x3F96] =	sst lr;
	_ =	strace $0xD0000000  }
0x3: {  	_ = 	snop  }
0x4: {  	_ = 	snop  }
0x5: {  	_ = 	snop  }
0x6: {  	_ = 	snop  }
0x7: {  	_ = 	snop  }
__scs_overlays_trampoline_lowered:
0x8: {  	[smem:$0x3FA5] =	sst s0  }
0x9: {  	[smem:$0x3FA6] =	sst s1  }
0xa: {  	[smem:$0x3FA7] =	sst s2  }
0xb: {  	[smem:$0x3FA8] =	sst s3  }
0xc: {  	[smem:$0x3FA9] =	sst s4  }
0xd: {  	[smem:$0x3FAA] =	sst s5  }
0xe: {  	[smem:$0x3FAB] =	sst s6  }
0xf: {  	[smem:$0x3FAC] =	sst s7  }
0x10: {  	[smem:$0x3FAD] =	sst s8  }
0x11: {  	[smem:$0x3FAE] =	sst s9;
	s0 =	simm.s32 @!p0 $0x0  }
0x12: {  	s1 =	sld [smem:$0x3F94];
	s0 =	simm.s32 @p0 $0x1  }
0x13: {  	[smem:$0x3FAF] =	sst s0;
	s0 =	simm.s32 @!p1 $0x0  }
0x14: {  	s2 =	sld [smem:$0x3F93];
	s0 =	simm.s32 @p1 $0x1  }
0x15: {  	[smem:$0x3FB0] =	sst s0;
	s0 =	simm.s32 @!p2 $0x0  }
0x16: {  	s3 =	sld [smem:$0x3FDB];
	s0 =	simm.s32 @p2 $0x1  }
0x17: {  	s4 =	simm.s32 $0x1BF5;
	[smem:$0x3FB2] =	sst s0  }
0x18: {  	s0 =	sld [smem:$0x3F95];
	_ =	swait.ge [sflag:s4], $0x0  }
0x19: {  	s7 =	sld [smem:$0x3F96]  }
0x1a: {  	s8 =	sadd.s32 $0xFFFFE003, lr  }
0x1b: {  	s9 =	sadd.s32 $0xFFFFFEF7, lr;
	s5 =	simm.s32 $0xFFFFFFFF;
	p2 =	slt.u32 s8, $0xFFFFF086  }
0x1c: {  	p1 =	slt.u32 s9, $0xF7A;
	s5 =	simm.s32 @!p2 $0x0  }
0x1d: {  	s5 =	simm.s32 @p1 $0x1;
	p0 =	seq.s32 s7, s2  }
0x1e: {  	s7 =	smul.u32 @!p0 $0xF7A, s2;
	p2 =	seq.s32 @!p0 s5, $0x0  }
0x1f: {  	s9 =	smul.u32 $0xF7A, s1;
	s8 =	simm.s32 @!p0 $0x1BF5;
	p2 =	por !p2, p0  }
0x20: {  	[sflag:s8] =	ssyncset.s32 @!p0 $0xFFFFF086;
	s6 =	sadd.s32 @!p0 s3, s7;
	s7 =	simm.s32 @!p0 $0x108  }
0x21: {  	s3 =	sadd.s32 s3, s9;
	s6 =	sadd.s32 @!p0 $0x88, s6;
	s7 =	simm.s32 @p2 $0x1082  }
0x22: {  	[simem:s7], [sflag:s8] =	dma.local @!p0 [hbm:s6], $0xF7A  }
0x23: {  	s9 =	sor.u32 $0xD0000000, s2;
	s6 =	simm.s32 $0x108;
	_ =	swait.ge @!p0 [sflag:s8], $0x0  }
0x24: {  	s3 =	sadd.s32 $0x88, s3;
	s6 =	simm.s32 @!p1 $0x1082;
	[sflag:s4] =	ssyncset.s32 $0xFFFFF086  }
0x25: {  	[simem:s6], [sflag:s4] =	dma.local [hbm:s3], $0xF7A  }
0x26: {  	[smem:$0x3F96] =	sst s1;
	(tag) =	ssettag s2;
	_ =	strace s9  }
0x27: {  	s1 =	sld [smem:$0x3FA6]  }
0x28: {  	s2 =	sld [smem:$0x3FA7]  }
0x29: {  	s4 =	sld [smem:$0x3FA9]  }
0x2a: {  	p0 =	seq.s32 s5, $0x0;
	s5 =	sld [smem:$0x3FAA]  }
0x2b: {  	s6 =	sld [smem:$0x3FAB]  }
0x2c: {  	s7 =	sld [smem:$0x3FAC]  }
0x2d: {  	s3 =	simm.s32 $0x108;
	s8 =	sld [smem:$0x3FAD]  }
0x2e: {  	s3 =	simm.s32 @!p0 $0x1082;
	s9 =	sld [smem:$0x3FAE]  }
0x2f: {  	lr =	sadd.s32 s0, s3;
	s0 =	sld [smem:$0x3FA5]  }
0x30: {  	s3 =	sld [smem:$0x3FA8]  }
0x31: {  	[smem:$0x3FB1] =	sst s10  }
0x32: {  	s10 =	sld [smem:$0x3FAF];
	_ =	sdelay $0x3  }
0x33: {  	p0 =	seq.s32 s10, $0x1;
	s10 =	sld [smem:$0x3FB1];
	_ =	sdelay $0x3  }
0x34: {  	[smem:$0x3FB1] =	sst s10  }
0x35: {  	s10 =	sld [smem:$0x3FB0];
	_ =	sdelay $0x3  }
0x36: {  	p1 =	seq.s32 s10, $0x1;
	s10 =	sld [smem:$0x3FB1];
	_ =	sdelay $0x3  }
0x37: {  	[smem:$0x3FB1] =	sst s10  }
0x38: {  	s10 =	sld [smem:$0x3FB2]  }
0x39: {  	_ = 	snop;
	(pc) =	sbr.ind lr, $3  }
0x3a: {  	_ = 	snop  }
0x3b: {  	_ = 	snop  }
0x3c: {  	p2 =	seq.s32 s10, $0x1;
	s10 =	sld [smem:$0x3FB1]  }
0x3d: {  	_ =	shalt  }
0x3e: {  	_ =	shalt  }
0x3f: {  	_ =	shalt  }
0x40: {  	_ =	shalt  }
0x41: {  	_ =	shalt  }
0x42: {  	_ =	shalt  }
0x43: {  	_ =	shalt  }
0x44: {  	_ =	shalt  }
0x45: {  	_ =	shalt  }
0x46: {  	_ =	shalt  }
0x47: {  	_ =	shalt  }
0x48: {  	_ =	shalt  }
0x49: {  	_ =	shalt  }
0x4a: {  	_ =	shalt  }
0x4b: {  	_ =	shalt  }
0x4c: {  	_ =	shalt  }
0x4d: {  	_ =	shalt  }
0x4e: {  	_ =	shalt  }
0x4f: {  	_ =	shalt  }
0x50: {  	_ =	shalt  }
0x51: {  	_ =	shalt  }
0x52: {  	_ =	shalt  }
0x53: {  	_ =	shalt  }
0x54: {  	_ =	shalt  }
0x55: {  	_ =	shalt  }
0x56: {  	_ =	shalt  }
0x57: {  	_ =	shalt  }
0x58: {  	_ =	shalt  }
0x59: {  	_ =	shalt  }
0x5a: {  	_ =	shalt  }
0x5b: {  	_ =	shalt  }
0x5c: {  	_ =	shalt  }
0x5d: {  	_ =	shalt  }
0x5e: {  	_ =	shalt  }
0x5f: {  	_ =	shalt  }
0x60: {  	_ =	shalt  }
0x61: {  	_ =	shalt  }
0x62: {  	_ =	shalt  }
0x63: {  	_ =	shalt  }
0x64: {  	_ =	shalt  }
0x65: {  	_ =	shalt  }
0x66: {  	_ =	shalt  }
0x67: {  	_ =	shalt  }
0x68: {  	_ =	shalt  }
0x69: {  	_ =	shalt  }
0x6a: {  	_ =	shalt  }
0x6b: {  	_ =	shalt  }
0x6c: {  	_ =	shalt  }
0x6d: {  	_ =	shalt  }
0x6e: {  	_ =	shalt  }
0x6f: {  	_ =	shalt  }
0x70: {  	_ =	shalt  }
0x71: {  	_ =	shalt  }
0x72: {  	_ =	shalt  }
0x73: {  	_ =	shalt  }
0x74: {  	_ =	shalt  }
0x75: {  	_ =	shalt  }
0x76: {  	_ =	shalt  }
0x77: {  	_ =	shalt  }
0x78: {  	_ =	shalt  }
0x79: {  	_ =	shalt  }
0x7a: {  	_ =	shalt  }
0x7b: {  	_ =	shalt  }
0x7c: {  	_ =	shalt  }
0x7d: {  	_ =	shalt  }
0x7e: {  	_ =	shalt  }
0x7f: {  	_ =	shalt  }
0x80: {  	_ =	shalt  }
0x81: {  	_ =	shalt  }
0x82: {  	_ =	shalt  }
0x83: {  	_ =	shalt  }
0x84: {  	_ =	shalt  }
0x85: {  	_ =	shalt  }
0x86: {  	_ =	shalt  }
0x87: {  	_ =	shalt  }
.Lfunc_end0:
.L_simem_size_0:
called_computation.3_lowered:
.L_overlay_start_0:
0x88: {  	s2 =	sld [smem:$0x3FD9]  }
0x89: {  	s3 =	sld [smem:$0x3FFE];
	_ =	sdelay $0x1  }
0x8a: {  	s1 =	srdreg.scid  }
0x8b: {  	s0 =	sand.u32 $0x1, s1  }
0x8c: {  	s16 =	sshll.u32 s0, $0xA;
	s2 =	sadd.s32 s3, s2  }
0x8d: {  	s2 =	sadd.s32 s2, s16  }
0x8e: {  	[smem:$0x3FBD] =	sst s2  }
0x8f: {  	_ = 	snop  }
0x90: {  	(tm) =	ssettm $0x1  }
0x91: {  	s17 =	sld [smem:$0x3FFB];
	_ =	sdelay $0x3  }
0x92: {  	_ =	strace s17  }
0x93: {  	s2 =	sld [smem:$0x3FFC];
	_ =	sdelay $0x3  }
0x94: {  	_ =	strace s2  }
0x95: {  	s2 =	sld [smem:$0x3FFD];
	_ =	sdelay $0x3  }
0x96: {  	_ =	strace s2  }
0x97: {  	_ =	strace $0x8FFFFFFF  }
0x98: {  	s18 =	sld [smem:$0x3FDB];
	_ =	sdelay $0x1  }
0x99: {  	s19 =	simm.s32 $_scs_section_size  }
0x9a: {  	s4 =	simm.s32 $_size__tile_overlayer_lowered;
	s5 =	simm.s32 $_tile_overlayer_lowered  }
0x9b: {  	s22 =	simm.s32 $0x1BFF;
	s21 =	sshll.u32 s5, $0x1;
	s2 =	sadd.s32 s19, s18  }
0x9c: {  	s6 =	simm.s32 $0x0;
	s20 =	sshll.u32 s4, $0x1;
	s4 =	sadd.s32 s21, s2  }
0x9d: {  	[timem:s6], [sflag:s22] =	dma.local [hbm:s4], s20  }
0x9e: {  	_ =	swait.ge [sflag:s22], s20  }
0x9f: {  	s3 =	ssub.s32 $0x0, s20;
	[sflag:s22] =	ssyncset.done $0x0  }
0xa0: {  	[sflag:s22] =	ssyncadd.s32 s3;
	_ =	sdelay $0x1  }
0xa1: {  	s23 =	simm.s32 $0x1B8B  }
0xa2: {  	_ =	swait.ge [sflag:s23], $0x1  }
0xa3: {  	[sflag:s23] =	ssyncset.done $0x0  }
0xa4: {  	s25 =	simm.s32 $0x1B8E;
	s24 =	sld [smem:$0x3FFE];
	[sflag:s23] =	ssyncadd.s32 $0xFFFFFFFF  }
0xa5: {  	s26 =	simm.s32 $execute0_lowered;
	[smem:$0x3FD2] =	sst s25  }
0xa6: {  	s4 =	sshll.u32 s26, $0x1;
	_ =	strace $0x8000004F;
	[dreg:$0x1] =	wrdreg $0xFFFFFFFF  }
0xa7: {  	s28 =	simm.s32 $_size_execute0_lowered;
	s2 =	sadd.s32 s2, s4;
	[dreg:$0x0] =	wrdreg $0x0  }
0xa8: {  	s4 =	sshll.u32 s28, $0x1;
	[dreg:$0x2] =	wrdreg s2  }
0xa9: {  	[dreg:$0x3] =	wrdreg s4  }
0xaa: {  	[dreg:$0x4] =	wrdreg $0xC0  }
0xab: {  	_ =	task [dreg:s6], $0x5FFFF  }
0xac: {  	[dreg:$0x1] =	wrdreg $0xFFFFFFFF  }
0xad: {  	[dreg:$0x0] =	wrdreg $0x60  }
0xae: {  	[dreg:$0x2] =	wrdreg s24  }
0xaf: {  	[dreg:$0x3] =	wrdreg $0xA8000  }
0xb0: {  	[dreg:$0x4] =	wrdreg $0x9  }
0xb1: {  	_ =	task.clear_ibuf [dreg:s6], $0x5FFFF;
	_ =	strace $0x9000004F  }
0xb2: {  	s29 =	simm.s32 $0x9;
	_ =	strace $0x80000051  }
0xb3: {  	_ =	swait.ge [sflag:s29], $0x1  }
0xb4: {  	[sflag:s29] =	ssyncadd.s32 $0xFFFFFFFF  }
0xb5: {  	_ =	strace $0x90000051  }
0xb6: {  	_ =	sfence  }
0xb7: {  	s30 =	sld [smem:$0x0];
	_ =	sdelay $0x2  }
0xb8: {  	s31 =	sshll.u32 s1, $0xD;
	s1 =	sshrl.u32 s1, $0x2  }
0xb9: {  	s3 =	sand.u32 $0x4000, s31;
	s1 =	sadd.s32 s1, s30  }
0xba: {  	s0 =	sor.u32 s3, s0;
	s1 =	sshll.u32 s1, $0x11  }
0xbb: {  	s0 =	sor.u32 s1, s0  }
0xbc: {  	s0 =	sadd.s32 $0x8F2B, s0  }
0xbd: {  	[sflag:s0] =	ssyncadd.remote.s32 $0x1  }
0xbe: {  	_ =	sfence.sel $0xFFFF  }
0xbf: {  	[dreg:$0x0] =	wrdreg $0xFFFFFFFF;
	(pc) =	sbr.abs _section_cstart, $3  }
0xc0: {  	[dreg:$0x1] =	wrdreg $0xFFFFFFFF  }
0xc1: {  	_ =	task.clear_ibuf [dreg:s6], $0x2FFFF;
	_ =	strace $0x9FFFFFFF  }
0xc2: {  	(tm) =	ssettm $0x7FFFFFFF  }
0xc3: {  	_ =	shalt  }
tec
execute0_lowered:
.L_overlay_start_1:
0x0: {  	(tag) =	ssettag $0x1  }
0x1: {  	s8 =	rddreg [dreg:$0x0]  }
0x2: {  	s1 =	rddreg [dreg:$0x1]  }
0x3: {  	s0 =	rddreg [dreg:$0x2];
	s3 =	simm.s32 $0x0  }
0x4: {  	s4 =	srdreg.scid;
	s2 =	stileid.u32;
	s15 =	simm.s32 $0x80  }
0x5: {  	s16 =	simm.s32 $0x2800;
	s17 =	simm.s32 $0x1;
	s18 =	simm.s32 $0x6800  }
0x6: {  	s19 =	simm.s32 $0x2;
	s20 =	simm.s32 $0x3;
	s21 =	simm.s32 $0x4  }
0x7: {  	s22 =	simm.s32 $0x1380;
	s23 =	simm.s32 $0x2700;
	s24 =	simm.s32 $0x2780  }
0x8: {  	[smem:$0x7FF] =	sst s3;
	s9 =	sand.u32 $0x1, s4;
	s10 =	smul.u32 $0x2780, s2  }
0x9: {  	s4 =	sadd.s32 $0x91E00, s8;
	s5 =	sadd.s32 $0x3000, s8;
	s12 =	smul.u32 $0x4F000, s2  }
0xa: {  	s6 =	sadd.s32 $0x19800, s8;
	s7 =	sadd.s32 $0x17000, s8;
	s13 =	smul.u32 $0x5000, s2  }
0xb: {  	s31 =	sshll.u32 s2, $0x6;
	s11 =	smul.u32 $0x28A00, s9;
	s28 =	ssub.s32 $0x2, s9  }
0xc: {  	_ =	strace $0x80000050;
	s9 =	smul.u32 $0x50000, s9;
	s29 =	sshrl.u32 s28, $0x1  }
0xd: {  	s30 =	sshrl.u32 s12, $0x2;
	s10 =	sadd.s32 s10, s11;
	s11 =	ssub.s32 s28, s29  }
0xe: {  	s14 =	sadd.s32 s30, s1;
	s9 =	sadd.s32 s13, s9;
	s13 =	simm.s32 $0x5  }
0xf: {  	s10 =	sadd.s32 s10, s8;
	s8 =	sor.u32 $0x1C05, s31;
	s11 =	smax.u32 s11, $0x1  }
0x10: {  	s12 =	sshrl.u32 s14, $0x3;
	s14 =	simm.s32 $0x1400;
	s10 =	sadd.s32 $0xA5E00, s10  }
.LBB2_1:
0x11: {  	[spmem:s12], [sflag:s8] =	dma.local [hbm:s7], $0x2780  }
0x12: {  	_ =	swait.ge [sflag:s13], $0x2780  }
0x13: {  	[sflag:s13] =	ssyncset.done $0x0  }
0x14: {  	[sflag:s13] =	ssyncadd.s32 $0xFFFFD880  }
0x15: {  	s25 =	simm.s32 $0x0;
	[bflag:$0x0] =	sbarrier.arrive $0xFFFF  }
.LBB2_2:
0x16: {  	s26 =	smul.u32 $0x1400, s25;
	_ =	sdelay $0x1  }
0x17: {  	s26 =	sadd.s32 s26, s9  }
0x18: {  	s26 =	sshrl.u32 s26, $0x3  }
0x19: {  	s29 =	simm.s32 $0x0;
	s28 =	sadd.s32 s5, s26  }
0x1a: {  	[tilespmem:s14], [sflag:$0x5] =	stream.linear.gather [hbm4b:s28+s29], $0x1400, $0x38;
	[tilespmem:$0x1E400] =	vst v63  }
0x1b: {  	_ =	swait.ge [sflag:s13], $0x1400  }
0x1c: {  	[sflag:s13] =	ssyncset.done $0x0  }
0x1d: {  	s26 =	sadd.s32 s4, s26;
	[sflag:s13] =	ssyncadd.s32 $0xFFFFEC00  }
0x1e: {  	[tilespmem:s29], [sflag:$0x5] =	stream.linear.gather [hbm4b:s26+s29], $0x1400, $0x38;
	[tilespmem:$0x1E400] =	vst v63  }
0x1f: {  	_ =	swait.ge [sflag:s13], $0x1400  }
0x20: {  	[sflag:s13] =	ssyncset.done $0x0  }
0x21: {  	[sflag:s13] =	ssyncadd.s32 $0xFFFFEC00  }
0x22: {  	[tilespmem:s16], [sflag:$0x1] =	stream.indirect.gather [hbm4b:s6+s15], $0x80, s29, s15, $0xb8;
	[tilespmem:$0x1E400] =	vst v63  }
0x23: {  	_ =	swait.ge [sflag:s17], $0x4000  }
0x24: {  	[sflag:s17] =	ssyncset.done $0x0  }
0x25: {  	s28 =	simm.s32 $0x80;
	[sflag:s17] =	ssyncadd.s32 $0xFFFFC000  }
0x26: {  	[tilespmem:s18], [sflag:$0x2] =	stream.indirect.gather [hbm4b:s6+s15], $0x80, s28, s15, $0xb8;
	[tilespmem:$0x1E400] =	vst v63  }
0x27: {  	s29 =	simm.s32 $0x1400  }
0x28: {  	[spmem:s1] =	stream.indirect.scatter.add.f32 [tilespmem:s16], [sflag:$0x3], $0x80, s29, s15, $0xb8;
	[tilespmem:$0x1E400] =	vst v63  }
0x29: {  	_ =	swait.ge [sflag:s19], $0x4000  }
0x2a: {  	[sflag:s19] =	ssyncset.done $0x0  }
0x2b: {  	[sflag:s19] =	ssyncadd.s32 $0xFFFFC000  }
0x2c: {  	_ =	swait.ge [sflag:s20], $0x4000  }
0x2d: {  	[sflag:s20] =	ssyncset.done $0x0  }
0x2e: {  	s30 =	simm.s32 $0x100;
	[sflag:s20] =	ssyncadd.s32 $0xFFFFC000  }
0x2f: {  	[tilespmem:s16], [sflag:$0x1] =	stream.indirect.gather [hbm4b:s6+s15], $0x80, s30, s15, $0xb8;
	[tilespmem:$0x1E400] =	vst v63  }
0x30: {  	s31 =	simm.s32 $0x1480  }
0x31: {  	[spmem:s1] =	stream.indirect.scatter.add.f32 [tilespmem:s18], [sflag:$0x4], $0x80, s31, s15, $0xb8;
	[tilespmem:$0x1E400] =	vst v63  }
0x32: {  	_ =	swait.ge [sflag:s21], $0x4000  }
0x33: {  	s26 =	simm.s32 $0x400;
	[sflag:s21] =	ssyncset.done $0x0  }
.LBB2_3:
0x34: {  	p0 =	sne.s32 s26, $0x4800  }
0x35: {  	[sflag:s21] =	ssyncadd.s32 $0xFFFFC000;
	s28 =	smov.u32 s26;
	s26 =	sadd.s32 $0x400, s26  }
0x36: {  	_ = 	snop  }
0x37: {  	_ =	swait.ge [sflag:s17], $0x4000  }
0x38: {  	s28 =	sshra.s32 s28, $0x2;
	[sflag:s17] =	ssyncset.done $0x0  }
0x39: {  	s29 =	sadd.s32 $0x80, s28;
	[sflag:s17] =	ssyncadd.s32 $0xFFFFC000  }
0x3a: {  	[tilespmem:s18], [sflag:$0x2] =	stream.indirect.gather [hbm4b:s6+s15], $0x80, s29, s15, $0xb8;
	[tilespmem:$0x1E400] =	vst v63  }
0x3b: {  	s29 =	sadd.s32 $0x1400, s28  }
0x3c: {  	[spmem:s1] =	stream.indirect.scatter.add.f32 [tilespmem:s16], [sflag:$0x3], $0x80, s29, s15, $0xb8;
	[tilespmem:$0x1E400] =	vst v63  }
0x3d: {  	_ =	swait.ge [sflag:s19], $0x4000  }
0x3e: {  	[sflag:s19] =	ssyncset.done $0x0  }
0x3f: {  	[sflag:s19] =	ssyncadd.s32 $0xFFFFC000  }
0x40: {  	_ =	swait.ge [sflag:s20], $0x4000  }
0x41: {  	[sflag:s20] =	ssyncset.done $0x0  }
0x42: {  	s29 =	sadd.s32 $0x100, s28;
	[sflag:s20] =	ssyncadd.s32 $0xFFFFC000  }
0x43: {  	[tilespmem:s16], [sflag:$0x1] =	stream.indirect.gather [hbm4b:s6+s15], $0x80, s29, s15, $0xb8;
	[tilespmem:$0x1E400] =	vst v63  }
.Ltmp0:
0x44: {  	_ = 	snop;
	(pc) =	sbr.rel @p0 .LBB2_3-.Ltmp0, $4  }
0x45: {  	s28 =	sadd.s32 $0x1480, s28  }
0x46: {  	[spmem:s1] =	stream.indirect.scatter.add.f32 [tilespmem:s18], [sflag:$0x4], $0x80, s28, s15, $0xb8;
	[tilespmem:$0x1E400] =	vst v63  }
0x47: {  	_ =	swait.ge [sflag:s21], $0x4000  }
0x48: {  	[sflag:s21] =	ssyncset.done $0x0  }
0x49: {  	[sflag:s21] =	ssyncadd.s32 $0xFFFFC000  }
0x4a: {  	_ =	swait.ge [sflag:s17], $0x4000  }
0x4b: {  	[sflag:s17] =	ssyncset.done $0x0  }
0x4c: {  	[sflag:s17] =	ssyncadd.s32 $0xFFFFC000  }
0x4d: {  	[tilespmem:s18], [sflag:$0x2] =	stream.indirect.gather [hbm4b:s6+s15], $0x80, s22, s15, $0xb8;
	[tilespmem:$0x1E400] =	vst v63  }
0x4e: {  	_ = 	snop  }
0x4f: {  	[spmem:s1] =	stream.indirect.scatter.add.f32 [tilespmem:s16], [sflag:$0x3], $0x80, s23, s15, $0xb8;
	[tilespmem:$0x1E400] =	vst v63  }
0x50: {  	_ =	swait.ge [sflag:s19], $0x4000  }
0x51: {  	[sflag:s19] =	ssyncset.done $0x0  }
0x52: {  	[sflag:s19] =	ssyncadd.s32 $0xFFFFC000  }
0x53: {  	s25 =	sadd.s32 $0x1, s25;
	_ =	swait.ge [sflag:s20], $0x4000  }
0x54: {  	p0 =	sne.s32 s25, $0x4;
	[sflag:s20] =	ssyncset.done $0x0  }
.Ltmp1:
0x55: {  	[sflag:s20] =	ssyncadd.s32 $0xFFFFC000;
	(pc) =	sbr.rel @p0 .LBB2_2-.Ltmp1, $4  }
0x56: {  	[spmem:s1] =	stream.indirect.scatter.add.f32 [tilespmem:s18], [sflag:$0x4], $0x80, s24, s15, $0xb8;
	[tilespmem:$0x1E400] =	vst v63  }
0x57: {  	_ =	swait.ge [sflag:s21], $0x4000  }
0x58: {  	[sflag:s21] =	ssyncset.done $0x0  }
0x59: {  	[sflag:s21] =	ssyncadd.s32 $0xFFFFC000  }
0x5a: {  	s3 =	sadd.s32 $0x1, s3  }
0x5b: {  	p0 =	sne.s32 s3, s11  }
.Ltmp2:
0x5c: {  	[bflag:$0x0] =	sbarrier.arrive $0xFFFF;
	(pc) =	sbr.rel @p0 .LBB2_1-.Ltmp2, $4  }
0x5d: {  	[hbm:s10], [sflag:s8] =	dma.local [spmem:s12], $0x2780  }
0x5e: {  	_ =	swait.ge [sflag:s13], $0x2780  }
0x5f: {  	[sflag:s13] =	ssyncset.done $0x0  }
0x60: {  	[sflag:s13] =	ssyncadd.s32 $0xFFFFD880  }
0x61: {  	_ =	sfence.sel $0x180000  }
0x62: {  	[bflag:$0x0] =	sbarrier.arrive $0xFFFF  }
0x63: {  	p0 =	sne.s32 s2, $0x0;
	_ =	strace $0x90000050  }
0x64: {  	s0 =	sadd.s32 @!p0 $0x100000, s0;
	[bflag:$0x2] =	sbarrier.arrive $0xFFFF  }
0x65: {  	[sflag:s0] =	ssyncadd.tile.s32 @!p0 $0x1;
	_ =	shalt  }
.Lfunc_end2:
_tile_overlayer_lowered:
.L_overlay_start_2:
0x66: {  	(tag) =	ssettag $0x2  }
0x67: {  	s0 =	rddreg [dreg:$0x0];
	s2 =	stileid.u32  }
0x68: {  	s1 =	rddreg [dreg:$0x1];
	p0 =	sne.s32 s2, $0x0  }
0x69: {  	s3 =	rddreg [dreg:$0x2];
	[bflag:$0x3] =	sbarrier.arrive $0xFFFF;
	s2 =	simm.s32 @!p0 $0x1C05  }
0x6a: {  	[timem:s3], [sflag:s2] =	dma.local @!p0 [hbm:s0], s1  }
0x6b: {  	s0 =	simm.s32 @!p0 $0x5  }
0x6c: {  	_ =	swait.ge @!p0 [sflag:s0], s1  }
0x6d: {  	s1 =	ssub.s32 @!p0 $0x0, s1;
	[sflag:s0] =	ssyncset.done @!p0 $0x0  }
0x6e: {  	[sflag:s0] =	ssyncadd.s32 @!p0 s1  }
0x6f: {  	[bflag:$0x3] =	sbarrier.arrive $0xFFFF  }
0x70: {  	_ =	shalt  }

</sc_bundles>
